<compile_context>
chip_gen: v7x
topology: tpu7x:2x2x1
jax: 0.10.2.dev20260603
libtpu: 0.0.44.dev20260713+nightly
codegen_flags: <defaults>
</compile_context>

<pallas_src>
import functools

import jax
import jax.numpy as jnp
from jax import lax
from jax.experimental import pallas as pl
from jax.experimental.pallas import tpu as pltpu
from jax.experimental.pallas import tpu_sc as plsc

N_NODES = 1_000_000
N_EDGES = 1_600_000
N_POS = 1024
PI = 0.25

NC, NS, L = 2, 16, 16
NW = NC * NS
NPAD = 1_007_616
SLICE = NPAD // NS
ZCH = SLICE // 8
NZC = 8
ROWS = NPAD // 128
ECH = N_EDGES // 128
RPT = 390
REM = ECH - NW * RPT
BLK = 130
NBLK = RPT // BLK
PPT = N_POS // NW


def _sc_body(idx_hbm, pos_hbm, inp_hbm, zeros_hbm,
             mask0_out, mask1_out, inpos_out,
             idx0_v, idx1_v, ones_v, zstage_v, zstage2_v, pidx_v,
             pip_v, pzidx_v, gsem, ssem, osem, csem, shared):
    cid = lax.axis_index("c")
    sid = lax.axis_index("s")
    wid = sid * NC + cid
    bufs = [idx0_v, idx1_v]

    def stage(b):
        return pltpu.make_async_copy(
            idx_hbm.at[pl.ds(wid * RPT + b * BLK, BLK), 0], bufs[b % 2], ssem)

    stage(0).start()
    for i in range(8):
        ones_v[pl.ds(i * 16, 16)] = jnp.full((16,), 1.0, dtype=jnp.float32)

    pltpu.sync_copy(zeros_hbm, zstage_v)

    def zchunk(k):
        return pltpu.make_async_copy(
            zstage_v, shared.at[pl.ds(sid * SLICE + k * ZCH, ZCH)], osem)

    for k in range(NZC):
        zchunk(k).start()
    for k in range(NZC):
        zchunk(k).wait()

    pr = wid // 4
    pc = (wid % 4) * PPT
    pltpu.sync_copy(pos_hbm.at[pr, pl.ds(pc, PPT)], pidx_v)
    pltpu.async_copy(inp_hbm.at[pidx_v], pip_v, gsem).wait()
    pltpu.sync_copy(pip_v, inpos_out.at[pl.ds(wid * PPT, PPT)])

    plsc.subcore_barrier()

    for b in range(NBLK):
        stage(b).wait()
        if b + 1 < NBLK:
            stage(b + 1).start()
        cur = bufs[b % 2]

        def fire(j, carry):
            pltpu.make_async_copy(ones_v, shared.at[cur.at[j]], csem).start(add=True)
            return carry

        def drain(j, carry):
            pltpu.make_async_copy(ones_v, shared.at[cur.at[j]], csem).wait()
            return carry

        lax.fori_loop(0, BLK, fire, 0)
        lax.fori_loop(0, BLK, drain, 0)

    @pl.when(wid < REM)
    def _():
        pltpu.sync_copy(idx_hbm.at[NW * RPT + wid, 0], pzidx_v)
        pltpu.sync_copy(ones_v, shared.at[pzidx_v], add=True)

    plsc.subcore_barrier()

    @pl.when(sid < 8)
    def _():
        pltpu.sync_copy(pos_hbm.at[sid], pzidx_v)
        pltpu.sync_copy(zstage_v.at[pl.ds(0, 128)], shared.at[pzidx_v])

    plsc.subcore_barrier()

    stages = [zstage_v, zstage2_v]

    def out_copy(k, buf):
        sl = pl.ds(sid * SLICE + k * ZCH, ZCH)

        @pl.when(cid == 0)
        def _():
            pltpu.make_async_copy(buf, mask0_out.at[sl], osem).start()

        @pl.when(cid == 1)
        def _():
            pltpu.make_async_copy(buf, mask1_out.at[sl], osem).start()

    def out_wait(k, buf):
        sl = pl.ds(sid * SLICE + k * ZCH, ZCH)

        @pl.when(cid == 0)
        def _():
            pltpu.make_async_copy(buf, mask0_out.at[sl], osem).wait()

        @pl.when(cid == 1)
        def _():
            pltpu.make_async_copy(buf, mask1_out.at[sl], osem).wait()

    for k in range(NZC):
        buf = stages[k % 2]
        if k >= 2:
            out_wait(k - 2, buf)
        pltpu.sync_copy(shared.at[pl.ds(sid * SLICE + k * ZCH, ZCH)], buf)
        out_copy(k, buf)
    out_wait(NZC - 2, stages[0])
    out_wait(NZC - 1, stages[1])


_sc_call = functools.partial(
    pl.kernel,
    out_type=[
        jax.ShapeDtypeStruct((NPAD,), jnp.float32),
        jax.ShapeDtypeStruct((NPAD,), jnp.float32),
        jax.ShapeDtypeStruct((N_POS,), jnp.float32),
    ],
    mesh=plsc.VectorSubcoreMesh(core_axis_name="c", subcore_axis_name="s"),
    scratch_types=[
        pltpu.VMEM((BLK, 128), jnp.int32),
        pltpu.VMEM((BLK, 128), jnp.int32),
        pltpu.VMEM((128,), jnp.float32),
        pltpu.VMEM((ZCH,), jnp.float32),
        pltpu.VMEM((ZCH,), jnp.float32),
        pltpu.VMEM((PPT,), jnp.int32),
        pltpu.VMEM((PPT,), jnp.float32),
        pltpu.VMEM((128,), jnp.int32),
        pltpu.SemaphoreType.DMA,
        pltpu.SemaphoreType.DMA,
        pltpu.SemaphoreType.DMA,
        pltpu.SemaphoreType.DMA,
        pltpu.VMEM_SHARED((NPAD,), jnp.float32),
    ],
)(_sc_body)


G = 2


def _sp_body(x_ref, sp_ref):
    x = x_ref[...]
    sp_ref[...] = jnp.maximum(x, 0.0) + jnp.log1p(jnp.exp(-jnp.abs(x)))


def _tc_body(sp_ref, m0_ref, m1_ref, ip_ref, o_ref, acc_ref):
    i = pl.program_id(0)

    @pl.when(i == 0)
    def _():
        acc_ref[0] = 0.0
        acc_ref[1] = 0.0

    neg = (m0_ref[...] + m1_ref[...]) > 0.0
    acc_ref[0] += jnp.sum(jnp.where(neg, sp_ref[...], 0.0))
    acc_ref[1] += jnp.sum(neg.astype(jnp.float32))

    @pl.when(i == G - 1)
    def _():
        ip = ip_ref[...]
        sp_p = jnp.maximum(ip, 0.0) + jnp.log1p(jnp.exp(-jnp.abs(ip)))
        rp_plus = jnp.mean(sp_p - ip)
        rp_minus = jnp.mean(sp_p)
        loss_u = jnp.maximum(acc_ref[0] / acc_ref[1] - PI * rp_minus, 0.0)
        o_ref[0, 0] = PI * rp_plus + loss_u


def kernel(input, nodes, pos_labels):
    idx3 = nodes.astype(jnp.int32).reshape(2, ECH, 128).transpose(1, 0, 2)
    pos2d = pos_labels.astype(jnp.int32).reshape(N_POS // 128, 128)
    zeros_in = jnp.zeros((ZCH,), jnp.float32)

    mask0, mask1, in_pos = _sc_call(idx3, pos2d, input, zeros_in)

    x_pad = jnp.concatenate(
        [input, jnp.zeros((NPAD - N_NODES,), jnp.float32)]
    ).reshape(ROWS, 128)

    rb = ROWS // G
    sp = pl.pallas_call(
        _sp_body,
        grid=(G,),
        in_specs=[pl.BlockSpec((rb, 128), lambda i: (i, 0))],
        out_shape=jax.ShapeDtypeStruct((ROWS, 128), jnp.float32),
        out_specs=pl.BlockSpec((rb, 128), lambda i: (i, 0)),
    )(x_pad)

    out = pl.pallas_call(
        _tc_body,
        grid=(G,),
        in_specs=[
            pl.BlockSpec((rb, 128), lambda i: (i, 0)),
            pl.BlockSpec((rb, 128), lambda i: (i, 0)),
            pl.BlockSpec((rb, 128), lambda i: (i, 0)),
            pl.BlockSpec((N_POS // 128, 128), lambda i: (0, 0)),
        ],
        out_shape=jax.ShapeDtypeStruct((1, 1), jnp.float32),
        out_specs=pl.BlockSpec(memory_space=pltpu.SMEM),
        scratch_shapes=[pltpu.SMEM((2,), jnp.float32)],
    )(sp, mask0.reshape(ROWS, 128), mask1.reshape(ROWS, 128),
      in_pos.reshape(N_POS // 128, 128))
    return out[0, 0]

# --- scband reference (transcript-rebuilt; emitter-appended) ---
"""Pipeline reference for scband-cluster-puloss-78778290143353 (READ-ONLY COPY).

The authoritative reference and input builder live on the scoring server;
editing this copy changes nothing except your own understanding.
"""

import jax, jax.numpy as jnp
import numpy as np

N_NODES = 1000000
N_EDGES = 1600000
N_POS = 1024
PI = 0.25


def setup_inputs(seed: int = 0) -> dict:
    key = jax.random.key(seed)
    k1, k2, k3 = jax.random.split(key, 3)
    inp = jax.random.normal(k1, (N_NODES,), dtype=jnp.float32)
    nodes = jax.random.randint(k2, (2, N_EDGES), 0, N_NODES).astype(jnp.int64)
    pos_labels = jax.random.randint(k3, (N_POS,), 0, N_NODES).astype(jnp.int64)
    return {"input": inp, "nodes": nodes, "pos_labels": pos_labels}


def _bce_with_logits(x, tgt):
    # binary_cross_entropy_with_logits(x, tgt) = max(x,0) - x*tgt + log(1+exp(-|x|))
    return jnp.maximum(x, 0.0) - x * tgt + jnp.log1p(jnp.exp(-jnp.abs(x)))


def reference(input, nodes, pos_labels):
    # get_pos_negs, mode='single'
    n_nodes = input.shape[0]
    present = jnp.zeros((n_nodes,), dtype=bool).at[nodes[0, :]].set(True)
    pos_member = jnp.zeros((n_nodes,), dtype=bool).at[pos_labels].set(True)
    neg_mask = present & ~pos_member
    in_pos = input[pos_labels]
    # ClusterPULoss.forward
    Rp_plus = _bce_with_logits(in_pos, 1.0)
    Rp_minus = _bce_with_logits(in_pos, 0.0)
    Ru_minus_all = _bce_with_logits(input, 0.0)
    neg_count = jnp.sum(neg_mask)
    Ru_minus_mean = jnp.sum(jnp.where(neg_mask, Ru_minus_all, 0.0)) / neg_count
    loss_p = PI * Rp_plus.mean()
    loss_u = Ru_minus_mean - PI * Rp_minus.mean()
    loss_u = jnp.maximum(loss_u, 0.0)
    return loss_p + loss_u

if __name__ == "__main__":
    import jax
    _d = setup_inputs()
    print(jax.jit(kernel)(*tuple(_d.values())))

</pallas_src>

<mosaic_0001>
#map = affine_map<(d0, d1) -> (0, 0, 0)>
#map1 = affine_map<(d0, d1) -> (0, 0)>
#map2 = affine_map<(d0, d1) -> (0)>
module attributes {stable_mosaic.version = 14 : i64} {
  func.func @_sc_body(%arg0: i32, %arg1: i32, %arg2: memref<12500x2x128xi32, #tpu.memory_space<hbm>>, %arg3: memref<8x128xi32, #tpu.memory_space<hbm>>, %arg4: memref<1000000xf32, #tpu.memory_space<hbm>>, %arg5: memref<7872xf32, #tpu.memory_space<hbm>>, %arg6: memref<1007616xf32, #tpu.memory_space<hbm>>, %arg7: memref<1007616xf32, #tpu.memory_space<hbm>>, %arg8: memref<1024xf32, #tpu.memory_space<hbm>>, %arg9: memref<130x128xi32, #tpu.memory_space<vmem>>, %arg10: memref<130x128xi32, #tpu.memory_space<vmem>>, %arg11: memref<128xf32, #tpu.memory_space<vmem>>, %arg12: memref<7872xf32, #tpu.memory_space<vmem>>, %arg13: memref<7872xf32, #tpu.memory_space<vmem>>, %arg14: memref<32xi32, #tpu.memory_space<vmem>>, %arg15: memref<32xf32, #tpu.memory_space<vmem>>, %arg16: memref<128xi32, #tpu.memory_space<vmem>>, %arg17: memref<!tpu.dma_semaphore, #tpu.memory_space<semaphore_mem>>, %arg18: memref<!tpu.dma_semaphore, #tpu.memory_space<semaphore_mem>>, %arg19: memref<!tpu.dma_semaphore, #tpu.memory_space<semaphore_mem>>, %arg20: memref<!tpu.dma_semaphore, #tpu.memory_space<semaphore_mem>>, %arg21: memref<1007616xf32, #tpu.memory_space<vmem_shared>>) attributes {dimension_semantics = [#tpu.dimension_semantics<core_parallel>, #tpu.dimension_semantics<subcore_parallel>], iteration_bounds = array<i64: 2, 16>, scalar_prefetch = 0 : i64, scratch_operands = 13 : i64, tpu.core_type = #tpu.core_type<sc_vector_subcore>, window_params = [{transform_indices = #map}, {transform_indices = #map1}, {transform_indices = #map2}, {transform_indices = #map2}, {transform_indices = #map2}, {transform_indices = #map2}, {transform_indices = #map2}]} {
    %mul3A = arith.constant 2 : i32
    %mul3A_0 = arith.muli %arg1, %mul3A : i32
    %add3A = arith.addi %mul3A_0, %arg0 : i32
    %mul3A_1 = arith.constant 390 : i32
    %mul3A_2 = arith.muli %add3A, %mul3A_1 : i32
    %add3A_3 = arith.constant 0 : i32
    %add3A_4 = arith.addi %mul3A_2, %add3A_3 : i32
    %dma_start3A = arith.constant 0 : i32
    %dma_start3A_5 = arith.constant 0 : i32
    %dma_start3A_6 = tpu.memref_slice %arg2[%add3A_4, %dma_start3A, %dma_start3A_5] : memref<12500x2x128xi32, #tpu.memory_space<hbm>> -> memref<130x1x128xi32, #tpu.memory_space<hbm>>
    %dma_start3A_7 = tpu.memref_squeeze %dma_start3A_6 : memref<130x1x128xi32, #tpu.memory_space<hbm>> -> memref<130x128xi32, #tpu.memory_space<hbm>>
    %dma_start3A_8 = arith.constant 0 : i32
    %dma_start3A_9 = tpu.memref_slice %arg2[%add3A_4, %dma_start3A, %dma_start3A_8] : memref<12500x2x128xi32, #tpu.memory_space<hbm>> -> memref<130x1x128xi32, #tpu.memory_space<hbm>>
    %dma_start3A_10 = tpu.memref_squeeze %dma_start3A_9 : memref<130x1x128xi32, #tpu.memory_space<hbm>> -> memref<130x128xi32, #tpu.memory_space<hbm>>
    tpu.enqueue_dma source(%dma_start3A_10 : memref<130x128xi32, #tpu.memory_space<hbm>>) target(%arg9 : memref<130x128xi32, #tpu.memory_space<vmem>>) target_semaphore(%arg18 : memref<!tpu.dma_semaphore, #tpu.memory_space<semaphore_mem>>)
    %broadcast_in_dim3A = arith.constant 1.000000e+00 : f32
    %broadcast_in_dim3A_11 = vector.broadcast %broadcast_in_dim3A : f32 to vector<16xf32>
    %swap3A = arith.constant 0 : index
    %swap3A_12 = tpu.vector_load %arg11[%swap3A] {strides = array<i32>} : memref<128xf32, #tpu.memory_space<vmem>>, vector<16xf32>,
    %swap3A_13 = vector.shape_cast %swap3A_12 : vector<16xf32> to vector<16xf32>
    %swap3A_14 = vector.shape_cast %broadcast_in_dim3A_11 : vector<16xf32> to vector<16xf32>
    tpu.vector_store %arg11[%swap3A], %swap3A_14 {strides = array<i32>} : memref<128xf32, #tpu.memory_space<vmem>>, vector<16xf32>,
    %broadcast_in_dim3A_15 = arith.constant 1.000000e+00 : f32
    %broadcast_in_dim3A_16 = vector.broadcast %broadcast_in_dim3A_15 : f32 to vector<16xf32>
    %swap3A_17 = arith.constant 16 : index
    %swap3A_18 = tpu.vector_load %arg11[%swap3A_17] {strides = array<i32>} : memref<128xf32, #tpu.memory_space<vmem>>, vector<16xf32>,
    %swap3A_19 = vector.shape_cast %swap3A_18 : vector<16xf32> to vector<16xf32>
    %swap3A_20 = vector.shape_cast %broadcast_in_dim3A_16 : vector<16xf32> to vector<16xf32>
    tpu.vector_store %arg11[%swap3A_17], %swap3A_20 {strides = array<i32>} : memref<128xf32, #tpu.memory_space<vmem>>, vector<16xf32>,
    %broadcast_in_dim3A_21 = arith.constant 1.000000e+00 : f32
    %broadcast_in_dim3A_22 = vector.broadcast %broadcast_in_dim3A_21 : f32 to vector<16xf32>
    %swap3A_23 = arith.constant 32 : index
    %swap3A_24 = tpu.vector_load %arg11[%swap3A_23] {strides = array<i32>} : memref<128xf32, #tpu.memory_space<vmem>>, vector<16xf32>,
    %swap3A_25 = vector.shape_cast %swap3A_24 : vector<16xf32> to vector<16xf32>
    %swap3A_26 = vector.shape_cast %broadcast_in_dim3A_22 : vector<16xf32> to vector<16xf32>
    tpu.vector_store %arg11[%swap3A_23], %swap3A_26 {strides = array<i32>} : memref<128xf32, #tpu.memory_space<vmem>>, vector<16xf32>,
    %broadcast_in_dim3A_27 = arith.constant 1.000000e+00 : f32
    %broadcast_in_dim3A_28 = vector.broadcast %broadcast_in_dim3A_27 : f32 to vector<16xf32>
    %swap3A_29 = arith.constant 48 : index
    %swap3A_30 = tpu.vector_load %arg11[%swap3A_29] {strides = array<i32>} : memref<128xf32, #tpu.memory_space<vmem>>, vector<16xf32>,
    %swap3A_31 = vector.shape_cast %swap3A_30 : vector<16xf32> to vector<16xf32>
    %swap3A_32 = vector.shape_cast %broadcast_in_dim3A_28 : vector<16xf32> to vector<16xf32>
    tpu.vector_store %arg11[%swap3A_29], %swap3A_32 {strides = array<i32>} : memref<128xf32, #tpu.memory_space<vmem>>, vector<16xf32>,
    %broadcast_in_dim3A_33 = arith.constant 1.000000e+00 : f32
    %broadcast_in_dim3A_34 = vector.broadcast %broadcast_in_dim3A_33 : f32 to vector<16xf32>
    %swap3A_35 = arith.constant 64 : index
    %swap3A_36 = tpu.vector_load %arg11[%swap3A_35] {strides = array<i32>} : memref<128xf32, #tpu.memory_space<vmem>>, vector<16xf32>,
    %swap3A_37 = vector.shape_cast %swap3A_36 : vector<16xf32> to vector<16xf32>
    %swap3A_38 = vector.shape_cast %broadcast_in_dim3A_34 : vector<16xf32> to vector<16xf32>
    tpu.vector_store %arg11[%swap3A_35], %swap3A_38 {strides = array<i32>} : memref<128xf32, #tpu.memory_space<vmem>>, vector<16xf32>,
    %broadcast_in_dim3A_39 = arith.constant 1.000000e+00 : f32
    %broadcast_in_dim3A_40 = vector.broadcast %broadcast_in_dim3A_39 : f32 to vector<16xf32>
    %swap3A_41 = arith.constant 80 : index
    %swap3A_42 = tpu.vector_load %arg11[%swap3A_41] {strides = array<i32>} : memref<128xf32, #tpu.memory_space<vmem>>, vector<16xf32>,
    %swap3A_43 = vector.shape_cast %swap3A_42 : vector<16xf32> to vector<16xf32>
    %swap3A_44 = vector.shape_cast %broadcast_in_dim3A_40 : vector<16xf32> to vector<16xf32>
    tpu.vector_store %arg11[%swap3A_41], %swap3A_44 {strides = array<i32>} : memref<128xf32, #tpu.memory_space<vmem>>, vector<16xf32>,
    %broadcast_in_dim3A_45 = arith.constant 1.000000e+00 : f32
    %broadcast_in_dim3A_46 = vector.broadcast %broadcast_in_dim3A_45 : f32 to vector<16xf32>
    %swap3A_47 = arith.constant 96 : index
    %swap3A_48 = tpu.vector_load %arg11[%swap3A_47] {strides = array<i32>} : memref<128xf32, #tpu.memory_space<vmem>>, vector<16xf32>,
    %swap3A_49 = vector.shape_cast %swap3A_48 : vector<16xf32> to vector<16xf32>
    %swap3A_50 = vector.shape_cast %broadcast_in_dim3A_46 : vector<16xf32> to vector<16xf32>
    tpu.vector_store %arg11[%swap3A_47], %swap3A_50 {strides = array<i32>} : memref<128xf32, #tpu.memory_space<vmem>>, vector<16xf32>,
    %broadcast_in_dim3A_51 = arith.constant 1.000000e+00 : f32
    %broadcast_in_dim3A_52 = vector.broadcast %broadcast_in_dim3A_51 : f32 to vector<16xf32>
    %swap3A_53 = arith.constant 112 : index
    %swap3A_54 = tpu.vector_load %arg11[%swap3A_53] {strides = array<i32>} : memref<128xf32, #tpu.memory_space<vmem>>, vector<16xf32>,
    %swap3A_55 = vector.shape_cast %swap3A_54 : vector<16xf32> to vector<16xf32>
    %swap3A_56 = vector.shape_cast %broadcast_in_dim3A_52 : vector<16xf32> to vector<16xf32>
    tpu.vector_store %arg11[%swap3A_53], %swap3A_56 {strides = array<i32>} : memref<128xf32, #tpu.memory_space<vmem>>, vector<16xf32>,
    "tpu.region"() ({
      %run_scoped3A = tpu.sem_alloc : memref<!tpu.dma_semaphore, #tpu.memory_space<semaphore_mem>>
      tpu.enqueue_dma source(%arg5 : memref<7872xf32, #tpu.memory_space<hbm>>) target(%arg12 : memref<7872xf32, #tpu.memory_space<vmem>>) target_semaphore(%run_scoped3A : memref<!tpu.dma_semaphore, #tpu.memory_space<semaphore_mem>>)
      tpu.wait_dma2 semaphore(%run_scoped3A : memref<!tpu.dma_semaphore, #tpu.memory_space<semaphore_mem>>) src(%arg5 : memref<7872xf32, #tpu.memory_space<hbm>>) dst(%arg12 : memref<7872xf32, #tpu.memory_space<vmem>>)
      tpu.yield
    }) : () -> ()
    %mul3A_57 = arith.constant 62976 : i32
    %mul3A_58 = arith.muli %arg1, %mul3A_57 : i32
    %add3A_59 = arith.constant 0 : i32
    %add3A_60 = arith.addi %mul3A_58, %add3A_59 : i32
    %dma_start3A_61 = tpu.memref_slice %arg21[%add3A_60] : memref<1007616xf32, #tpu.memory_space<vmem_shared>> -> memref<7872xf32, #tpu.memory_space<vmem_shared>>
    %dma_start3A_62 = tpu.memref_slice %arg21[%add3A_60] : memref<1007616xf32, #tpu.memory_space<vmem_shared>> -> memref<7872xf32, #tpu.memory_space<vmem_shared>>
    tpu.enqueue_dma source(%arg12 : memref<7872xf32, #tpu.memory_space<vmem>>) target(%dma_start3A_62 : memref<7872xf32, #tpu.memory_space<vmem_shared>>) target_semaphore(%arg19 : memref<!tpu.dma_semaphore, #tpu.memory_space<semaphore_mem>>)
    %mul3A_63 = arith.constant 62976 : i32
    %mul3A_64 = arith.muli %arg1, %mul3A_63 : i32
    %add3A_65 = arith.constant 7872 : i32
    %add3A_66 = arith.addi %mul3A_64, %add3A_65 : i32
    %dma_start3A_67 = tpu.memref_slice %arg21[%add3A_66] : memref<1007616xf32, #tpu.memory_space<vmem_shared>> -> memref<7872xf32, #tpu.memory_space<vmem_shared>>
    %dma_start3A_68 = tpu.memref_slice %arg21[%add3A_66] : memref<1007616xf32, #tpu.memory_space<vmem_shared>> -> memref<7872xf32, #tpu.memory_space<vmem_shared>>
    tpu.enqueue_dma source(%arg12 : memref<7872xf32, #tpu.memory_space<vmem>>) target(%dma_start3A_68 : memref<7872xf32, #tpu.memory_space<vmem_shared>>) target_semaphore(%arg19 : memref<!tpu.dma_semaphore, #tpu.memory_space<semaphore_mem>>)
    %mul3A_69 = arith.constant 62976 : i32
    %mul3A_70 = arith.muli %arg1, %mul3A_69 : i32
    %add3A_71 = arith.constant 15744 : i32
    %add3A_72 = arith.addi %mul3A_70, %add3A_71 : i32
    %dma_start3A_73 = tpu.memref_slice %arg21[%add3A_72] : memref<1007616xf32, #tpu.memory_space<vmem_shared>> -> memref<7872xf32, #tpu.memory_space<vmem_shared>>
    %dma_start3A_74 = tpu.memref_slice %arg21[%add3A_72] : memref<1007616xf32, #tpu.memory_space<vmem_shared>> -> memref<7872xf32, #tpu.memory_space<vmem_shared>>
    tpu.enqueue_dma source(%arg12 : memref<7872xf32, #tpu.memory_space<vmem>>) target(%dma_start3A_74 : memref<7872xf32, #tpu.memory_space<vmem_shared>>) target_semaphore(%arg19 : memref<!tpu.dma_semaphore, #tpu.memory_space<semaphore_mem>>)
    %mul3A_75 = arith.constant 62976 : i32
    %mul3A_76 = arith.muli %arg1, %mul3A_75 : i32
    %add3A_77 = arith.constant 23616 : i32
    %add3A_78 = arith.addi %mul3A_76, %add3A_77 : i32
    %dma_start3A_79 = tpu.memref_slice %arg21[%add3A_78] : memref<1007616xf32, #tpu.memory_space<vmem_shared>> -> memref<7872xf32, #tpu.memory_space<vmem_shared>>
    %dma_start3A_80 = tpu.memref_slice %arg21[%add3A_78] : memref<1007616xf32, #tpu.memory_space<vmem_shared>> -> memref<7872xf32, #tpu.memory_space<vmem_shared>>
    tpu.enqueue_dma source(%arg12 : memref<7872xf32, #tpu.memory_space<vmem>>) target(%dma_start3A_80 : memref<7872xf32, #tpu.memory_space<vmem_shared>>) target_semaphore(%arg19 : memref<!tpu.dma_semaphore, #tpu.memory_space<semaphore_mem>>)
    %mul3A_81 = arith.constant 62976 : i32
    %mul3A_82 = arith.muli %arg1, %mul3A_81 : i32
    %add3A_83 = arith.constant 31488 : i32
    %add3A_84 = arith.addi %mul3A_82, %add3A_83 : i32
    %dma_start3A_85 = tpu.memref_slice %arg21[%add3A_84] : memref<1007616xf32, #tpu.memory_space<vmem_shared>> -> memref<7872xf32, #tpu.memory_space<vmem_shared>>
    %dma_start3A_86 = tpu.memref_slice %arg21[%add3A_84] : memref<1007616xf32, #tpu.memory_space<vmem_shared>> -> memref<7872xf32, #tpu.memory_space<vmem_shared>>
    tpu.enqueue_dma source(%arg12 : memref<7872xf32, #tpu.memory_space<vmem>>) target(%dma_start3A_86 : memref<7872xf32, #tpu.memory_space<vmem_shared>>) target_semaphore(%arg19 : memref<!tpu.dma_semaphore, #tpu.memory_space<semaphore_mem>>)
    %mul3A_87 = arith.constant 62976 : i32
    %mul3A_88 = arith.muli %arg1, %mul3A_87 : i32
    %add3A_89 = arith.constant 39360 : i32
    %add3A_90 = arith.addi %mul3A_88, %add3A_89 : i32
    %dma_start3A_91 = tpu.memref_slice %arg21[%add3A_90] : memref<1007616xf32, #tpu.memory_space<vmem_shared>> -> memref<7872xf32, #tpu.memory_space<vmem_shared>>
    %dma_start3A_92 = tpu.memref_slice %arg21[%add3A_90] : memref<1007616xf32, #tpu.memory_space<vmem_shared>> -> memref<7872xf32, #tpu.memory_space<vmem_shared>>
    tpu.enqueue_dma source(%arg12 : memref<7872xf32, #tpu.memory_space<vmem>>) target(%dma_start3A_92 : memref<7872xf32, #tpu.memory_space<vmem_shared>>) target_semaphore(%arg19 : memref<!tpu.dma_semaphore, #tpu.memory_space<semaphore_mem>>)
    %mul3A_93 = arith.constant 62976 : i32
    %mul3A_94 = arith.muli %arg1, %mul3A_93 : i32
    %add3A_95 = arith.constant 47232 : i32
    %add3A_96 = arith.addi %mul3A_94, %add3A_95 : i32
    %dma_start3A_97 = tpu.memref_slice %arg21[%add3A_96] : memref<1007616xf32, #tpu.memory_space<vmem_shared>> -> memref<7872xf32, #tpu.memory_space<vmem_shared>>
    %dma_start3A_98 = tpu.memref_slice %arg21[%add3A_96] : memref<1007616xf32, #tpu.memory_space<vmem_shared>> -> memref<7872xf32, #tpu.memory_space<vmem_shared>>
    tpu.enqueue_dma source(%arg12 : memref<7872xf32, #tpu.memory_space<vmem>>) target(%dma_start3A_98 : memref<7872xf32, #tpu.memory_space<vmem_shared>>) target_semaphore(%arg19 : memref<!tpu.dma_semaphore, #tpu.memory_space<semaphore_mem>>)
    %mul3A_99 = arith.constant 62976 : i32
    %mul3A_100 = arith.muli %arg1, %mul3A_99 : i32
    %add3A_101 = arith.constant 55104 : i32
    %add3A_102 = arith.addi %mul3A_100, %add3A_101 : i32
    %dma_start3A_103 = tpu.memref_slice %arg21[%add3A_102] : memref<1007616xf32, #tpu.memory_space<vmem_shared>> -> memref<7872xf32, #tpu.memory_space<vmem_shared>>
    %dma_start3A_104 = tpu.memref_slice %arg21[%add3A_102] : memref<1007616xf32, #tpu.memory_space<vmem_shared>> -> memref<7872xf32, #tpu.memory_space<vmem_shared>>
    tpu.enqueue_dma source(%arg12 : memref<7872xf32, #tpu.memory_space<vmem>>) target(%dma_start3A_104 : memref<7872xf32, #tpu.memory_space<vmem_shared>>) target_semaphore(%arg19 : memref<!tpu.dma_semaphore, #tpu.memory_space<semaphore_mem>>)
    %mul3A_105 = arith.constant 62976 : i32
    %mul3A_106 = arith.muli %arg1, %mul3A_105 : i32
    %add3A_107 = arith.constant 0 : i32
    %add3A_108 = arith.addi %mul3A_106, %add3A_107 : i32
    %dma_wait3A = tpu.memref_slice %arg21[%add3A_108] : memref<1007616xf32, #tpu.memory_space<vmem_shared>> -> memref<7872xf32, #tpu.memory_space<vmem_shared>>
    %dma_wait3A_109 = tpu.memref_slice %arg21[%add3A_108] : memref<1007616xf32, #tpu.memory_space<vmem_shared>> -> memref<7872xf32, #tpu.memory_space<vmem_shared>>
    tpu.wait_dma2 semaphore(%arg19 : memref<!tpu.dma_semaphore, #tpu.memory_space<semaphore_mem>>) src(%arg12 : memref<7872xf32, #tpu.memory_space<vmem>>) dst(%dma_wait3A_109 : memref<7872xf32, #tpu.memory_space<vmem_shared>>)
    %mul3A_110 = arith.constant 62976 : i32
    %mul3A_111 = arith.muli %arg1, %mul3A_110 : i32
    %add3A_112 = arith.constant 7872 : i32
    %add3A_113 = arith.addi %mul3A_111, %add3A_112 : i32
    %dma_wait3A_114 = tpu.memref_slice %arg21[%add3A_113] : memref<1007616xf32, #tpu.memory_space<vmem_shared>> -> memref<7872xf32, #tpu.memory_space<vmem_shared>>
    %dma_wait3A_115 = tpu.memref_slice %arg21[%add3A_113] : memref<1007616xf32, #tpu.memory_space<vmem_shared>> -> memref<7872xf32, #tpu.memory_space<vmem_shared>>
    tpu.wait_dma2 semaphore(%arg19 : memref<!tpu.dma_semaphore, #tpu.memory_space<semaphore_mem>>) src(%arg12 : memref<7872xf32, #tpu.memory_space<vmem>>) dst(%dma_wait3A_115 : memref<7872xf32, #tpu.memory_space<vmem_shared>>)
    %mul3A_116 = arith.constant 62976 : i32
    %mul3A_117 = arith.muli %arg1, %mul3A_116 : i32
    %add3A_118 = arith.constant 15744 : i32
    %add3A_119 = arith.addi %mul3A_117, %add3A_118 : i32
    %dma_wait3A_120 = tpu.memref_slice %arg21[%add3A_119] : memref<1007616xf32, #tpu.memory_space<vmem_shared>> -> memref<7872xf32, #tpu.memory_space<vmem_shared>>
    %dma_wait3A_121 = tpu.memref_slice %arg21[%add3A_119] : memref<1007616xf32, #tpu.memory_space<vmem_shared>> -> memref<7872xf32, #tpu.memory_space<vmem_shared>>
    tpu.wait_dma2 semaphore(%arg19 : memref<!tpu.dma_semaphore, #tpu.memory_space<semaphore_mem>>) src(%arg12 : memref<7872xf32, #tpu.memory_space<vmem>>) dst(%dma_wait3A_121 : memref<7872xf32, #tpu.memory_space<vmem_shared>>)
    %mul3A_122 = arith.constant 62976 : i32
    %mul3A_123 = arith.muli %arg1, %mul3A_122 : i32
    %add3A_124 = arith.constant 23616 : i32
    %add3A_125 = arith.addi %mul3A_123, %add3A_124 : i32
    %dma_wait3A_126 = tpu.memref_slice %arg21[%add3A_125] : memref<1007616xf32, #tpu.memory_space<vmem_shared>> -> memref<7872xf32, #tpu.memory_space<vmem_shared>>
    %dma_wait3A_127 = tpu.memref_slice %arg21[%add3A_125] : memref<1007616xf32, #tpu.memory_space<vmem_shared>> -> memref<7872xf32, #tpu.memory_space<vmem_shared>>
    tpu.wait_dma2 semaphore(%arg19 : memref<!tpu.dma_semaphore, #tpu.memory_space<semaphore_mem>>) src(%arg12 : memref<7872xf32, #tpu.memory_space<vmem>>) dst(%dma_wait3A_127 : memref<7872xf32, #tpu.memory_space<vmem_shared>>)
    %mul3A_128 = arith.constant 62976 : i32
    %mul3A_129 = arith.muli %arg1, %mul3A_128 : i32
    %add3A_130 = arith.constant 31488 : i32
    %add3A_131 = arith.addi %mul3A_129, %add3A_130 : i32
    %dma_wait3A_132 = tpu.memref_slice %arg21[%add3A_131] : memref<1007616xf32, #tpu.memory_space<vmem_shared>> -> memref<7872xf32, #tpu.memory_space<vmem_shared>>
    %dma_wait3A_133 = tpu.memref_slice %arg21[%add3A_131] : memref<1007616xf32, #tpu.memory_space<vmem_shared>> -> memref<7872xf32, #tpu.memory_space<vmem_shared>>
    tpu.wait_dma2 semaphore(%arg19 : memref<!tpu.dma_semaphore, #tpu.memory_space<semaphore_mem>>) src(%arg12 : memref<7872xf32, #tpu.memory_space<vmem>>) dst(%dma_wait3A_133 : memref<7872xf32, #tpu.memory_space<vmem_shared>>)
    %mul3A_134 = arith.constant 62976 : i32
    %mul3A_135 = arith.muli %arg1, %mul3A_134 : i32
    %add3A_136 = arith.constant 39360 : i32
    %add3A_137 = arith.addi %mul3A_135, %add3A_136 : i32
    %dma_wait3A_138 = tpu.memref_slice %arg21[%add3A_137] : memref<1007616xf32, #tpu.memory_space<vmem_shared>> -> memref<7872xf32, #tpu.memory_space<vmem_shared>>
    %dma_wait3A_139 = tpu.memref_slice %arg21[%add3A_137] : memref<1007616xf32, #tpu.memory_space<vmem_shared>> -> memref<7872xf32, #tpu.memory_space<vmem_shared>>
    tpu.wait_dma2 semaphore(%arg19 : memref<!tpu.dma_semaphore, #tpu.memory_space<semaphore_mem>>) src(%arg12 : memref<7872xf32, #tpu.memory_space<vmem>>) dst(%dma_wait3A_139 : memref<7872xf32, #tpu.memory_space<vmem_shared>>)
    %mul3A_140 = arith.constant 62976 : i32
    %mul3A_141 = arith.muli %arg1, %mul3A_140 : i32
    %add3A_142 = arith.constant 47232 : i32
    %add3A_143 = arith.addi %mul3A_141, %add3A_142 : i32
    %dma_wait3A_144 = tpu.memref_slice %arg21[%add3A_143] : memref<1007616xf32, #tpu.memory_space<vmem_shared>> -> memref<7872xf32, #tpu.memory_space<vmem_shared>>
    %dma_wait3A_145 = tpu.memref_slice %arg21[%add3A_143] : memref<1007616xf32, #tpu.memory_space<vmem_shared>> -> memref<7872xf32, #tpu.memory_space<vmem_shared>>
    tpu.wait_dma2 semaphore(%arg19 : memref<!tpu.dma_semaphore, #tpu.memory_space<semaphore_mem>>) src(%arg12 : memref<7872xf32, #tpu.memory_space<vmem>>) dst(%dma_wait3A_145 : memref<7872xf32, #tpu.memory_space<vmem_shared>>)
    %mul3A_146 = arith.constant 62976 : i32
    %mul3A_147 = arith.muli %arg1, %mul3A_146 : i32
    %add3A_148 = arith.constant 55104 : i32
    %add3A_149 = arith.addi %mul3A_147, %add3A_148 : i32
    %dma_wait3A_150 = tpu.memref_slice %arg21[%add3A_149] : memref<1007616xf32, #tpu.memory_space<vmem_shared>> -> memref<7872xf32, #tpu.memory_space<vmem_shared>>
    %dma_wait3A_151 = tpu.memref_slice %arg21[%add3A_149] : memref<1007616xf32, #tpu.memory_space<vmem_shared>> -> memref<7872xf32, #tpu.memory_space<vmem_shared>>
    tpu.wait_dma2 semaphore(%arg19 : memref<!tpu.dma_semaphore, #tpu.memory_space<semaphore_mem>>) src(%arg12 : memref<7872xf32, #tpu.memory_space<vmem>>) dst(%dma_wait3A_151 : memref<7872xf32, #tpu.memory_space<vmem_shared>>)
    %jit3A = arith.constant 4 : i32
    %div3A = arith.divsi %add3A, %jit3A : i32
    %sign3A = arith.constant 0 : i32
    %sign3A_152 = arith.cmpi sgt, %add3A, %sign3A : i32
    %sign3A_153 = arith.extui %sign3A_152 : i1 to i32
    %sign3A_154 = arith.constant 0 : i32
    %sign3A_155 = arith.cmpi slt, %add3A, %sign3A_154 : i32
    %sign3A_156 = arith.extui %sign3A_155 : i1 to i32
    %sign3A_157 = arith.subi %sign3A_153, %sign3A_156 : i32
    %sign3A_158 = arith.constant 0 : i32
    %sign3A_159 = arith.cmpi sgt, %jit3A, %sign3A_158 : i32
    %sign3A_160 = arith.extui %sign3A_159 : i1 to i32
    %sign3A_161 = arith.constant 0 : i32
    %sign3A_162 = arith.cmpi slt, %jit3A, %sign3A_161 : i32
    %sign3A_163 = arith.extui %sign3A_162 : i1 to i32
    %sign3A_164 = arith.subi %sign3A_160, %sign3A_163 : i32
    %ne3A = arith.cmpi ne, %sign3A_157, %sign3A_164 : i32
    %rem3A = arith.remsi %add3A, %jit3A : i32
    %ne3A_165 = arith.constant 0 : i32
    %ne3A_166 = arith.cmpi ne, %rem3A, %ne3A_165 : i32
    %and3A = arith.andi %ne3A, %ne3A_166 : i1
    %sub3A = arith.constant 1 : i32
    %sub3A_167 = arith.subi %div3A, %sub3A : i32
    %select_n3A = arith.select %and3A, %sub3A_167, %div3A : i32
    %jit3A_168 = arith.constant 4 : i32
    %eq3A = arith.constant 0 : i32
    %eq3A_169 = arith.cmpi eq, %jit3A_168, %eq3A : i32
    %jit3A_170 = arith.constant 1 : i32
    %select_n3A_171 = arith.select %eq3A_169, %jit3A_170, %jit3A_168 : i32
    %rem3A_172 = arith.remsi %add3A, %select_n3A_171 : i32
    %ne3A_173 = arith.constant 0 : i32
    %ne3A_174 = arith.cmpi ne, %rem3A_172, %ne3A_173 : i32
    %lt3A = arith.constant 0 : i32
    %lt3A_175 = arith.cmpi slt, %rem3A_172, %lt3A : i32
    %lt3A_176 = arith.constant 0 : i32
    %lt3A_177 = arith.cmpi slt, %select_n3A_171, %lt3A_176 : i32
    %ne3A_178 = arith.xori %lt3A_175, %lt3A_177 : i1
    %and3A_179 = arith.andi %ne3A_178, %ne3A_174 : i1
    %add3A_180 = arith.addi %rem3A_172, %select_n3A_171 : i32
    %select_n3A_181 = arith.select %and3A_179, %add3A_180, %rem3A_172 : i32
    %mul3A_182 = arith.constant 32 : i32
    %mul3A_183 = arith.muli %select_n3A_181, %mul3A_182 : i32
    "tpu.region"() ({
      %run_scoped3A = tpu.sem_alloc : memref<!tpu.dma_semaphore, #tpu.memory_space<semaphore_mem>>
      %dma_start3A_546 = tpu.memref_slice %arg3[%select_n3A, %mul3A_183] : memref<8x128xi32, #tpu.memory_space<hbm>> -> memref<1x32xi32, #tpu.memory_space<hbm>>
      %dma_start3A_547 = tpu.memref_squeeze %dma_start3A_546 : memref<1x32xi32, #tpu.memory_space<hbm>> -> memref<32xi32, #tpu.memory_space<hbm>>
      %dma_start3A_548 = tpu.memref_slice %arg3[%select_n3A, %mul3A_183] : memref<8x128xi32, #tpu.memory_space<hbm>> -> memref<1x32xi32, #tpu.memory_space<hbm>>
      %dma_start3A_549 = tpu.memref_squeeze %dma_start3A_548 : memref<1x32xi32, #tpu.memory_space<hbm>> -> memref<32xi32, #tpu.memory_space<hbm>>
      tpu.enqueue_dma source(%dma_start3A_549 : memref<32xi32, #tpu.memory_space<hbm>>) target(%arg14 : memref<32xi32, #tpu.memory_space<vmem>>) target_semaphore(%run_scoped3A : memref<!tpu.dma_semaphore, #tpu.memory_space<semaphore_mem>>)
      %dma_wait3A_550 = tpu.memref_slice %arg3[%select_n3A, %mul3A_183] : memref<8x128xi32, #tpu.memory_space<hbm>> -> memref<1x32xi32, #tpu.memory_space<hbm>>
      %dma_wait3A_551 = tpu.memref_squeeze %dma_wait3A_550 : memref<1x32xi32, #tpu.memory_space<hbm>> -> memref<32xi32, #tpu.memory_space<hbm>>
      %dma_wait3A_552 = tpu.memref_slice %arg3[%select_n3A, %mul3A_183] : memref<8x128xi32, #tpu.memory_space<hbm>> -> memref<1x32xi32, #tpu.memory_space<hbm>>
      %dma_wait3A_553 = tpu.memref_squeeze %dma_wait3A_552 : memref<1x32xi32, #tpu.memory_space<hbm>> -> memref<32xi32, #tpu.memory_space<hbm>>
      tpu.wait_dma2 semaphore(%run_scoped3A : memref<!tpu.dma_semaphore, #tpu.memory_space<semaphore_mem>>) src(%dma_wait3A_553 : memref<32xi32, #tpu.memory_space<hbm>>) dst(%arg14 : memref<32xi32, #tpu.memory_space<vmem>>)
      tpu.yield
    }) : () -> ()
    %dma_start3A_184 = arith.constant 0 : i32
    %dma_start3A_185 = tpu.memref_slice %arg4[%dma_start3A_184] : memref<1000000xf32, #tpu.memory_space<hbm>> -> memref<1000000xf32, #tpu.memory_space<hbm>>
    tpu.enqueue_indirect_dma source(%dma_start3A_185 : memref<1000000xf32, #tpu.memory_space<hbm>>) target(%arg15 : memref<32xf32, #tpu.memory_space<vmem>>) offsets(%arg14 : memref<32xi32, #tpu.memory_space<vmem>>) semaphore(%arg17 : memref<!tpu.dma_semaphore, #tpu.memory_space<semaphore_mem>>)
    %dma_wait3A_186 = arith.constant 0 : i32
    %dma_wait3A_187 = tpu.memref_slice %arg4[%dma_wait3A_186] : memref<1000000xf32, #tpu.memory_space<hbm>> -> memref<1000000xf32, #tpu.memory_space<hbm>>
    tpu.wait_indirect_dma semaphore(%arg17 : memref<!tpu.dma_semaphore, #tpu.memory_space<semaphore_mem>>) src(%dma_wait3A_187 : memref<1000000xf32, #tpu.memory_space<hbm>>) dst(%arg15 : memref<32xf32, #tpu.memory_space<vmem>>)
    %mul3A_188 = arith.constant 32 : i32
    %mul3A_189 = arith.muli %add3A, %mul3A_188 : i32
    "tpu.region"() ({
      %run_scoped3A = tpu.sem_alloc : memref<!tpu.dma_semaphore, #tpu.memory_space<semaphore_mem>>
      %dma_start3A_546 = tpu.memref_slice %arg8[%mul3A_189] : memref<1024xf32, #tpu.memory_space<hbm>> -> memref<32xf32, #tpu.memory_space<hbm>>
      %dma_start3A_547 = tpu.memref_slice %arg8[%mul3A_189] : memref<1024xf32, #tpu.memory_space<hbm>> -> memref<32xf32, #tpu.memory_space<hbm>>
      tpu.enqueue_dma source(%arg15 : memref<32xf32, #tpu.memory_space<vmem>>) target(%dma_start3A_547 : memref<32xf32, #tpu.memory_space<hbm>>) target_semaphore(%run_scoped3A : memref<!tpu.dma_semaphore, #tpu.memory_space<semaphore_mem>>)
      %dma_wait3A_548 = tpu.memref_slice %arg8[%mul3A_189] : memref<1024xf32, #tpu.memory_space<hbm>> -> memref<32xf32, #tpu.memory_space<hbm>>
      %dma_wait3A_549 = tpu.memref_slice %arg8[%mul3A_189] : memref<1024xf32, #tpu.memory_space<hbm>> -> memref<32xf32, #tpu.memory_space<hbm>>
      tpu.wait_dma2 semaphore(%run_scoped3A : memref<!tpu.dma_semaphore, #tpu.memory_space<semaphore_mem>>) src(%arg15 : memref<32xf32, #tpu.memory_space<vmem>>) dst(%dma_wait3A_549 : memref<32xf32, #tpu.memory_space<hbm>>)
      tpu.yield
    }) : () -> ()
    %barrier3A = arith.constant 0 : index
    tpu.barrier barrier_id(%barrier3A)
    %mul3A_190 = arith.constant 390 : i32
    %mul3A_191 = arith.muli %add3A, %mul3A_190 : i32
    %add3A_192 = arith.constant 0 : i32
    %add3A_193 = arith.addi %mul3A_191, %add3A_192 : i32
    %dma_wait3A_194 = arith.constant 0 : i32
    %dma_wait3A_195 = arith.constant 0 : i32
    %dma_wait3A_196 = tpu.memref_slice %arg2[%add3A_193, %dma_wait3A_194, %dma_wait3A_195] : memref<12500x2x128xi32, #tpu.memory_space<hbm>> -> memref<130x1x128xi32, #tpu.memory_space<hbm>>
    %dma_wait3A_197 = tpu.memref_squeeze %dma_wait3A_196 : memref<130x1x128xi32, #tpu.memory_space<hbm>> -> memref<130x128xi32, #tpu.memory_space<hbm>>
    %dma_wait3A_198 = arith.constant 0 : i32
    %dma_wait3A_199 = tpu.memref_slice %arg2[%add3A_193, %dma_wait3A_194, %dma_wait3A_198] : memref<12500x2x128xi32, #tpu.memory_space<hbm>> -> memref<130x1x128xi32, #tpu.memory_space<hbm>>
    %dma_wait3A_200 = tpu.memref_squeeze %dma_wait3A_199 : memref<130x1x128xi32, #tpu.memory_space<hbm>> -> memref<130x128xi32, #tpu.memory_space<hbm>>
    tpu.wait_dma2 semaphore(%arg18 : memref<!tpu.dma_semaphore, #tpu.memory_space<semaphore_mem>>) src(%dma_wait3A_200 : memref<130x128xi32, #tpu.memory_space<hbm>>) dst(%arg9 : memref<130x128xi32, #tpu.memory_space<vmem>>)
    %mul3A_201 = arith.constant 390 : i32
    %mul3A_202 = arith.muli %add3A, %mul3A_201 : i32
    %add3A_203 = arith.constant 130 : i32
    %add3A_204 = arith.addi %mul3A_202, %add3A_203 : i32
    %dma_start3A_205 = arith.constant 0 : i32
    %dma_start3A_206 = arith.constant 0 : i32
    %dma_start3A_207 = tpu.memref_slice %arg2[%add3A_204, %dma_start3A_205, %dma_start3A_206] : memref<12500x2x128xi32, #tpu.memory_space<hbm>> -> memref<130x1x128xi32, #tpu.memory_space<hbm>>
    %dma_start3A_208 = tpu.memref_squeeze %dma_start3A_207 : memref<130x1x128xi32, #tpu.memory_space<hbm>> -> memref<130x128xi32, #tpu.memory_space<hbm>>
    %dma_start3A_209 = arith.constant 0 : i32
    %dma_start3A_210 = tpu.memref_slice %arg2[%add3A_204, %dma_start3A_205, %dma_start3A_209] : memref<12500x2x128xi32, #tpu.memory_space<hbm>> -> memref<130x1x128xi32, #tpu.memory_space<hbm>>
    %dma_start3A_211 = tpu.memref_squeeze %dma_start3A_210 : memref<130x1x128xi32, #tpu.memory_space<hbm>> -> memref<130x128xi32, #tpu.memory_space<hbm>>
    tpu.enqueue_dma source(%dma_start3A_211 : memref<130x128xi32, #tpu.memory_space<hbm>>) target(%arg10 : memref<130x128xi32, #tpu.memory_space<vmem>>) target_semaphore(%arg18 : memref<!tpu.dma_semaphore, #tpu.memory_space<semaphore_mem>>)
    %scan3A = arith.constant 0 : i32
    %scan3A_212 = arith.constant 0 : i32
    %scan3A_213 = arith.constant 130 : i32
    %scan3A_214 = arith.addi %scan3A_212, %scan3A_213 : i32
    %scan3A_215 = arith.constant 1 : i32
    scf.for %scan3A_546 = %scan3A_212 to %scan3A_214 step %scan3A_215  : i32 {
      %dma_start3A_547 = arith.constant 0 : i32
      %dma_start3A_548 = tpu.memref_slice %arg9[%scan3A_546, %dma_start3A_547] : memref<130x128xi32, #tpu.memory_space<vmem>> -> memref<1x128xi32, #tpu.memory_space<vmem>>
      %dma_start3A_549 = tpu.memref_squeeze %dma_start3A_548 : memref<1x128xi32, #tpu.memory_space<vmem>> -> memref<128xi32, #tpu.memory_space<vmem>>
      %dma_start3A_550 = arith.constant 0 : i32
      %dma_start3A_551 = tpu.memref_slice %arg21[%dma_start3A_550] : memref<1007616xf32, #tpu.memory_space<vmem_shared>> -> memref<1007616xf32, #tpu.memory_space<vmem_shared>>
      tpu.enqueue_indirect_dma source(%arg11 : memref<128xf32, #tpu.memory_space<vmem>>) target(%dma_start3A_551 : memref<1007616xf32, #tpu.memory_space<vmem_shared>>) offsets(%dma_start3A_549 : memref<128xi32, #tpu.memory_space<vmem>>) semaphore(%arg20 : memref<!tpu.dma_semaphore, #tpu.memory_space<semaphore_mem>>) {add = true}
    }
    %scan3A_216 = arith.constant 130 : i32
    %scan3A_217 = arith.constant 0 : i32
    %scan3A_218 = arith.constant 0 : i32
    %scan3A_219 = arith.constant 130 : i32
    %scan3A_220 = arith.addi %scan3A_218, %scan3A_219 : i32
    %scan3A_221 = arith.constant 1 : i32
    scf.for %scan3A_546 = %scan3A_218 to %scan3A_220 step %scan3A_221  : i32 {
      %dma_wait3A_547 = arith.constant 0 : i32
      %dma_wait3A_548 = tpu.memref_slice %arg9[%scan3A_546, %dma_wait3A_547] : memref<130x128xi32, #tpu.memory_space<vmem>> -> memref<1x128xi32, #tpu.memory_space<vmem>>
      %dma_wait3A_549 = tpu.memref_squeeze %dma_wait3A_548 : memref<1x128xi32, #tpu.memory_space<vmem>> -> memref<128xi32, #tpu.memory_space<vmem>>
      %dma_wait3A_550 = arith.constant 0 : i32
      %dma_wait3A_551 = tpu.memref_slice %arg21[%dma_wait3A_550] : memref<1007616xf32, #tpu.memory_space<vmem_shared>> -> memref<1007616xf32, #tpu.memory_space<vmem_shared>>
      tpu.wait_indirect_dma semaphore(%arg20 : memref<!tpu.dma_semaphore, #tpu.memory_space<semaphore_mem>>) src(%arg11 : memref<128xf32, #tpu.memory_space<vmem>>) dst(%dma_wait3A_551 : memref<1007616xf32, #tpu.memory_space<vmem_shared>>)
    }
    %scan3A_222 = arith.constant 130 : i32
    %mul3A_223 = arith.constant 390 : i32
    %mul3A_224 = arith.muli %add3A, %mul3A_223 : i32
    %add3A_225 = arith.constant 130 : i32
    %add3A_226 = arith.addi %mul3A_224, %add3A_225 : i32
    %dma_wait3A_227 = arith.constant 0 : i32
    %dma_wait3A_228 = arith.constant 0 : i32
    %dma_wait3A_229 = tpu.memref_slice %arg2[%add3A_226, %dma_wait3A_227, %dma_wait3A_228] : memref<12500x2x128xi32, #tpu.memory_space<hbm>> -> memref<130x1x128xi32, #tpu.memory_space<hbm>>
    %dma_wait3A_230 = tpu.memref_squeeze %dma_wait3A_229 : memref<130x1x128xi32, #tpu.memory_space<hbm>> -> memref<130x128xi32, #tpu.memory_space<hbm>>
    %dma_wait3A_231 = arith.constant 0 : i32
    %dma_wait3A_232 = tpu.memref_slice %arg2[%add3A_226, %dma_wait3A_227, %dma_wait3A_231] : memref<12500x2x128xi32, #tpu.memory_space<hbm>> -> memref<130x1x128xi32, #tpu.memory_space<hbm>>
    %dma_wait3A_233 = tpu.memref_squeeze %dma_wait3A_232 : memref<130x1x128xi32, #tpu.memory_space<hbm>> -> memref<130x128xi32, #tpu.memory_space<hbm>>
    tpu.wait_dma2 semaphore(%arg18 : memref<!tpu.dma_semaphore, #tpu.memory_space<semaphore_mem>>) src(%dma_wait3A_233 : memref<130x128xi32, #tpu.memory_space<hbm>>) dst(%arg10 : memref<130x128xi32, #tpu.memory_space<vmem>>)
    %mul3A_234 = arith.constant 390 : i32
    %mul3A_235 = arith.muli %add3A, %mul3A_234 : i32
    %add3A_236 = arith.constant 260 : i32
    %add3A_237 = arith.addi %mul3A_235, %add3A_236 : i32
    %dma_start3A_238 = arith.constant 0 : i32
    %dma_start3A_239 = arith.constant 0 : i32
    %dma_start3A_240 = tpu.memref_slice %arg2[%add3A_237, %dma_start3A_238, %dma_start3A_239] : memref<12500x2x128xi32, #tpu.memory_space<hbm>> -> memref<130x1x128xi32, #tpu.memory_space<hbm>>
    %dma_start3A_241 = tpu.memref_squeeze %dma_start3A_240 : memref<130x1x128xi32, #tpu.memory_space<hbm>> -> memref<130x128xi32, #tpu.memory_space<hbm>>
    %dma_start3A_242 = arith.constant 0 : i32
    %dma_start3A_243 = tpu.memref_slice %arg2[%add3A_237, %dma_start3A_238, %dma_start3A_242] : memref<12500x2x128xi32, #tpu.memory_space<hbm>> -> memref<130x1x128xi32, #tpu.memory_space<hbm>>
    %dma_start3A_244 = tpu.memref_squeeze %dma_start3A_243 : memref<130x1x128xi32, #tpu.memory_space<hbm>> -> memref<130x128xi32, #tpu.memory_space<hbm>>
    tpu.enqueue_dma source(%dma_start3A_244 : memref<130x128xi32, #tpu.memory_space<hbm>>) target(%arg9 : memref<130x128xi32, #tpu.memory_space<vmem>>) target_semaphore(%arg18 : memref<!tpu.dma_semaphore, #tpu.memory_space<semaphore_mem>>)
    %scan3A_245 = arith.constant 0 : i32
    %scan3A_246 = arith.constant 0 : i32
    %scan3A_247 = arith.constant 130 : i32
    %scan3A_248 = arith.addi %scan3A_246, %scan3A_247 : i32
    %scan3A_249 = arith.constant 1 : i32
    scf.for %scan3A_546 = %scan3A_246 to %scan3A_248 step %scan3A_249  : i32 {
      %dma_start3A_547 = arith.constant 0 : i32
      %dma_start3A_548 = tpu.memref_slice %arg10[%scan3A_546, %dma_start3A_547] : memref<130x128xi32, #tpu.memory_space<vmem>> -> memref<1x128xi32, #tpu.memory_space<vmem>>
      %dma_start3A_549 = tpu.memref_squeeze %dma_start3A_548 : memref<1x128xi32, #tpu.memory_space<vmem>> -> memref<128xi32, #tpu.memory_space<vmem>>
      %dma_start3A_550 = arith.constant 0 : i32
      %dma_start3A_551 = tpu.memref_slice %arg21[%dma_start3A_550] : memref<1007616xf32, #tpu.memory_space<vmem_shared>> -> memref<1007616xf32, #tpu.memory_space<vmem_shared>>
      tpu.enqueue_indirect_dma source(%arg11 : memref<128xf32, #tpu.memory_space<vmem>>) target(%dma_start3A_551 : memref<1007616xf32, #tpu.memory_space<vmem_shared>>) offsets(%dma_start3A_549 : memref<128xi32, #tpu.memory_space<vmem>>) semaphore(%arg20 : memref<!tpu.dma_semaphore, #tpu.memory_space<semaphore_mem>>) {add = true}
    }
    %scan3A_250 = arith.constant 130 : i32
    %scan3A_251 = arith.constant 0 : i32
    %scan3A_252 = arith.constant 0 : i32
    %scan3A_253 = arith.constant 130 : i32
    %scan3A_254 = arith.addi %scan3A_252, %scan3A_253 : i32
    %scan3A_255 = arith.constant 1 : i32
    scf.for %scan3A_546 = %scan3A_252 to %scan3A_254 step %scan3A_255  : i32 {
      %dma_wait3A_547 = arith.constant 0 : i32
      %dma_wait3A_548 = tpu.memref_slice %arg10[%scan3A_546, %dma_wait3A_547] : memref<130x128xi32, #tpu.memory_space<vmem>> -> memref<1x128xi32, #tpu.memory_space<vmem>>
      %dma_wait3A_549 = tpu.memref_squeeze %dma_wait3A_548 : memref<1x128xi32, #tpu.memory_space<vmem>> -> memref<128xi32, #tpu.memory_space<vmem>>
      %dma_wait3A_550 = arith.constant 0 : i32
      %dma_wait3A_551 = tpu.memref_slice %arg21[%dma_wait3A_550] : memref<1007616xf32, #tpu.memory_space<vmem_shared>> -> memref<1007616xf32, #tpu.memory_space<vmem_shared>>
      tpu.wait_indirect_dma semaphore(%arg20 : memref<!tpu.dma_semaphore, #tpu.memory_space<semaphore_mem>>) src(%arg11 : memref<128xf32, #tpu.memory_space<vmem>>) dst(%dma_wait3A_551 : memref<1007616xf32, #tpu.memory_space<vmem_shared>>)
    }
    %scan3A_256 = arith.constant 130 : i32
    %mul3A_257 = arith.constant 390 : i32
    %mul3A_258 = arith.muli %add3A, %mul3A_257 : i32
    %add3A_259 = arith.constant 260 : i32
    %add3A_260 = arith.addi %mul3A_258, %add3A_259 : i32
    %dma_wait3A_261 = arith.constant 0 : i32
    %dma_wait3A_262 = arith.constant 0 : i32
    %dma_wait3A_263 = tpu.memref_slice %arg2[%add3A_260, %dma_wait3A_261, %dma_wait3A_262] : memref<12500x2x128xi32, #tpu.memory_space<hbm>> -> memref<130x1x128xi32, #tpu.memory_space<hbm>>
    %dma_wait3A_264 = tpu.memref_squeeze %dma_wait3A_263 : memref<130x1x128xi32, #tpu.memory_space<hbm>> -> memref<130x128xi32, #tpu.memory_space<hbm>>
    %dma_wait3A_265 = arith.constant 0 : i32
    %dma_wait3A_266 = tpu.memref_slice %arg2[%add3A_260, %dma_wait3A_261, %dma_wait3A_265] : memref<12500x2x128xi32, #tpu.memory_space<hbm>> -> memref<130x1x128xi32, #tpu.memory_space<hbm>>
    %dma_wait3A_267 = tpu.memref_squeeze %dma_wait3A_266 : memref<130x1x128xi32, #tpu.memory_space<hbm>> -> memref<130x128xi32, #tpu.memory_space<hbm>>
    tpu.wait_dma2 semaphore(%arg18 : memref<!tpu.dma_semaphore, #tpu.memory_space<semaphore_mem>>) src(%dma_wait3A_267 : memref<130x128xi32, #tpu.memory_space<hbm>>) dst(%arg9 : memref<130x128xi32, #tpu.memory_space<vmem>>)
    %scan3A_268 = arith.constant 0 : i32
    %scan3A_269 = arith.constant 0 : i32
    %scan3A_270 = arith.constant 130 : i32
    %scan3A_271 = arith.addi %scan3A_269, %scan3A_270 : i32
    %scan3A_272 = arith.constant 1 : i32
    scf.for %scan3A_546 = %scan3A_269 to %scan3A_271 step %scan3A_272  : i32 {
      %dma_start3A_547 = arith.constant 0 : i32
      %dma_start3A_548 = tpu.memref_slice %arg9[%scan3A_546, %dma_start3A_547] : memref<130x128xi32, #tpu.memory_space<vmem>> -> memref<1x128xi32, #tpu.memory_space<vmem>>
      %dma_start3A_549 = tpu.memref_squeeze %dma_start3A_548 : memref<1x128xi32, #tpu.memory_space<vmem>> -> memref<128xi32, #tpu.memory_space<vmem>>
      %dma_start3A_550 = arith.constant 0 : i32
      %dma_start3A_551 = tpu.memref_slice %arg21[%dma_start3A_550] : memref<1007616xf32, #tpu.memory_space<vmem_shared>> -> memref<1007616xf32, #tpu.memory_space<vmem_shared>>
      tpu.enqueue_indirect_dma source(%arg11 : memref<128xf32, #tpu.memory_space<vmem>>) target(%dma_start3A_551 : memref<1007616xf32, #tpu.memory_space<vmem_shared>>) offsets(%dma_start3A_549 : memref<128xi32, #tpu.memory_space<vmem>>) semaphore(%arg20 : memref<!tpu.dma_semaphore, #tpu.memory_space<semaphore_mem>>) {add = true}
    }
    %scan3A_273 = arith.constant 130 : i32
    %scan3A_274 = arith.constant 0 : i32
    %scan3A_275 = arith.constant 0 : i32
    %scan3A_276 = arith.constant 130 : i32
    %scan3A_277 = arith.addi %scan3A_275, %scan3A_276 : i32
    %scan3A_278 = arith.constant 1 : i32
    scf.for %scan3A_546 = %scan3A_275 to %scan3A_277 step %scan3A_278  : i32 {
      %dma_wait3A_547 = arith.constant 0 : i32
      %dma_wait3A_548 = tpu.memref_slice %arg9[%scan3A_546, %dma_wait3A_547] : memref<130x128xi32, #tpu.memory_space<vmem>> -> memref<1x128xi32, #tpu.memory_space<vmem>>
      %dma_wait3A_549 = tpu.memref_squeeze %dma_wait3A_548 : memref<1x128xi32, #tpu.memory_space<vmem>> -> memref<128xi32, #tpu.memory_space<vmem>>
      %dma_wait3A_550 = arith.constant 0 : i32
      %dma_wait3A_551 = tpu.memref_slice %arg21[%dma_wait3A_550] : memref<1007616xf32, #tpu.memory_space<vmem_shared>> -> memref<1007616xf32, #tpu.memory_space<vmem_shared>>
      tpu.wait_indirect_dma semaphore(%arg20 : memref<!tpu.dma_semaphore, #tpu.memory_space<semaphore_mem>>) src(%arg11 : memref<128xf32, #tpu.memory_space<vmem>>) dst(%dma_wait3A_551 : memref<1007616xf32, #tpu.memory_space<vmem_shared>>)
    }
    %scan3A_279 = arith.constant 130 : i32
    %lt3A_280 = arith.constant 20 : i32
    %lt3A_281 = arith.cmpi slt, %add3A, %lt3A_280 : i32
    %convert_element_type3A = arith.extui %lt3A_281 : i1 to i32
    %cond3A = arith.constant 0 : i32
    %cond3A_282 = arith.cmpi ne, %convert_element_type3A, %cond3A : i32
    scf.if %cond3A_282 {
      %add3A_546 = arith.constant 12480 : i32
      %add3A_547 = arith.addi %add3A_546, %add3A : i32
      %run_scoped3A = arith.constant 0 : i32
      "tpu.region"() ({
        %run_scoped3A_548 = tpu.sem_alloc : memref<!tpu.dma_semaphore, #tpu.memory_space<semaphore_mem>>
        %dma_start3A_549 = arith.constant 0 : i32
        %dma_start3A_550 = tpu.memref_slice %arg2[%add3A_547, %run_scoped3A, %dma_start3A_549] : memref<12500x2x128xi32, #tpu.memory_space<hbm>> -> memref<1x1x128xi32, #tpu.memory_space<hbm>>
        %dma_start3A_551 = tpu.memref_squeeze %dma_start3A_550 : memref<1x1x128xi32, #tpu.memory_space<hbm>> -> memref<128xi32, #tpu.memory_space<hbm>>
        %dma_start3A_552 = arith.constant 0 : i32
        %dma_start3A_553 = tpu.memref_slice %arg2[%add3A_547, %run_scoped3A, %dma_start3A_552] : memref<12500x2x128xi32, #tpu.memory_space<hbm>> -> memref<1x1x128xi32, #tpu.memory_space<hbm>>
        %dma_start3A_554 = tpu.memref_squeeze %dma_start3A_553 : memref<1x1x128xi32, #tpu.memory_space<hbm>> -> memref<128xi32, #tpu.memory_space<hbm>>
        tpu.enqueue_dma source(%dma_start3A_554 : memref<128xi32, #tpu.memory_space<hbm>>) target(%arg16 : memref<128xi32, #tpu.memory_space<vmem>>) target_semaphore(%run_scoped3A_548 : memref<!tpu.dma_semaphore, #tpu.memory_space<semaphore_mem>>)
        %dma_wait3A_555 = arith.constant 0 : i32
        %dma_wait3A_556 = tpu.memref_slice %arg2[%add3A_547, %run_scoped3A, %dma_wait3A_555] : memref<12500x2x128xi32, #tpu.memory_space<hbm>> -> memref<1x1x128xi32, #tpu.memory_space<hbm>>
        %dma_wait3A_557 = tpu.memref_squeeze %dma_wait3A_556 : memref<1x1x128xi32, #tpu.memory_space<hbm>> -> memref<128xi32, #tpu.memory_space<hbm>>
        %dma_wait3A_558 = arith.constant 0 : i32
        %dma_wait3A_559 = tpu.memref_slice %arg2[%add3A_547, %run_scoped3A, %dma_wait3A_558] : memref<12500x2x128xi32, #tpu.memory_space<hbm>> -> memref<1x1x128xi32, #tpu.memory_space<hbm>>
        %dma_wait3A_560 = tpu.memref_squeeze %dma_wait3A_559 : memref<1x1x128xi32, #tpu.memory_space<hbm>> -> memref<128xi32, #tpu.memory_space<hbm>>
        tpu.wait_dma2 semaphore(%run_scoped3A_548 : memref<!tpu.dma_semaphore, #tpu.memory_space<semaphore_mem>>) src(%dma_wait3A_560 : memref<128xi32, #tpu.memory_space<hbm>>) dst(%arg16 : memref<128xi32, #tpu.memory_space<vmem>>)
        tpu.yield
      }) : () -> ()
      "tpu.region"() ({
        %run_scoped3A_548 = tpu.sem_alloc : memref<!tpu.dma_semaphore, #tpu.memory_space<semaphore_mem>>
        %dma_start3A_549 = arith.constant 0 : i32
        %dma_start3A_550 = tpu.memref_slice %arg21[%dma_start3A_549] : memref<1007616xf32, #tpu.memory_space<vmem_shared>> -> memref<1007616xf32, #tpu.memory_space<vmem_shared>>
        tpu.enqueue_indirect_dma source(%arg11 : memref<128xf32, #tpu.memory_space<vmem>>) target(%dma_start3A_550 : memref<1007616xf32, #tpu.memory_space<vmem_shared>>) offsets(%arg16 : memref<128xi32, #tpu.memory_space<vmem>>) semaphore(%run_scoped3A_548 : memref<!tpu.dma_semaphore, #tpu.memory_space<semaphore_mem>>) {add = true}
        %dma_wait3A_551 = arith.constant 0 : i32
        %dma_wait3A_552 = tpu.memref_slice %arg21[%dma_wait3A_551] : memref<1007616xf32, #tpu.memory_space<vmem_shared>> -> memref<1007616xf32, #tpu.memory_space<vmem_shared>>
        tpu.wait_indirect_dma semaphore(%run_scoped3A_548 : memref<!tpu.dma_semaphore, #tpu.memory_space<semaphore_mem>>) src(%arg11 : memref<128xf32, #tpu.memory_space<vmem>>) dst(%dma_wait3A_552 : memref<1007616xf32, #tpu.memory_space<vmem_shared>>)
        tpu.yield
      }) : () -> ()
    } else {
    }
    %barrier3A_283 = arith.constant 0 : index
    tpu.barrier barrier_id(%barrier3A_283)
    %lt3A_284 = arith.constant 8 : i32
    %lt3A_285 = arith.cmpi slt, %arg1, %lt3A_284 : i32
    %convert_element_type3A_286 = arith.extui %lt3A_285 : i1 to i32
    %cond3A_287 = arith.constant 0 : i32
    %cond3A_288 = arith.cmpi ne, %convert_element_type3A_286, %cond3A_287 : i32
    scf.if %cond3A_288 {
      "tpu.region"() ({
        %run_scoped3A = tpu.sem_alloc : memref<!tpu.dma_semaphore, #tpu.memory_space<semaphore_mem>>
        %dma_start3A_546 = arith.constant 0 : i32
        %dma_start3A_547 = tpu.memref_slice %arg3[%arg1, %dma_start3A_546] : memref<8x128xi32, #tpu.memory_space<hbm>> -> memref<1x128xi32, #tpu.memory_space<hbm>>
        %dma_start3A_548 = tpu.memref_squeeze %dma_start3A_547 : memref<1x128xi32, #tpu.memory_space<hbm>> -> memref<128xi32, #tpu.memory_space<hbm>>
        %dma_start3A_549 = arith.constant 0 : i32
        %dma_start3A_550 = tpu.memref_slice %arg3[%arg1, %dma_start3A_549] : memref<8x128xi32, #tpu.memory_space<hbm>> -> memref<1x128xi32, #tpu.memory_space<hbm>>
        %dma_start3A_551 = tpu.memref_squeeze %dma_start3A_550 : memref<1x128xi32, #tpu.memory_space<hbm>> -> memref<128xi32, #tpu.memory_space<hbm>>
        tpu.enqueue_dma source(%dma_start3A_551 : memref<128xi32, #tpu.memory_space<hbm>>) target(%arg16 : memref<128xi32, #tpu.memory_space<vmem>>) target_semaphore(%run_scoped3A : memref<!tpu.dma_semaphore, #tpu.memory_space<semaphore_mem>>)
        %dma_wait3A_552 = arith.constant 0 : i32
        %dma_wait3A_553 = tpu.memref_slice %arg3[%arg1, %dma_wait3A_552] : memref<8x128xi32, #tpu.memory_space<hbm>> -> memref<1x128xi32, #tpu.memory_space<hbm>>
        %dma_wait3A_554 = tpu.memref_squeeze %dma_wait3A_553 : memref<1x128xi32, #tpu.memory_space<hbm>> -> memref<128xi32, #tpu.memory_space<hbm>>
        %dma_wait3A_555 = arith.constant 0 : i32
        %dma_wait3A_556 = tpu.memref_slice %arg3[%arg1, %dma_wait3A_555] : memref<8x128xi32, #tpu.memory_space<hbm>> -> memref<1x128xi32, #tpu.memory_space<hbm>>
        %dma_wait3A_557 = tpu.memref_squeeze %dma_wait3A_556 : memref<1x128xi32, #tpu.memory_space<hbm>> -> memref<128xi32, #tpu.memory_space<hbm>>
        tpu.wait_dma2 semaphore(%run_scoped3A : memref<!tpu.dma_semaphore, #tpu.memory_space<semaphore_mem>>) src(%dma_wait3A_557 : memref<128xi32, #tpu.memory_space<hbm>>) dst(%arg16 : memref<128xi32, #tpu.memory_space<vmem>>)
        tpu.yield
      }) : () -> ()
      "tpu.region"() ({
        %run_scoped3A = tpu.sem_alloc : memref<!tpu.dma_semaphore, #tpu.memory_space<semaphore_mem>>
        %dma_start3A_546 = arith.constant 0 : i32
        %dma_start3A_547 = tpu.memref_slice %arg12[%dma_start3A_546] : memref<7872xf32, #tpu.memory_space<vmem>> -> memref<128xf32, #tpu.memory_space<vmem>>
        %dma_start3A_548 = arith.constant 0 : i32
        %dma_start3A_549 = tpu.memref_slice %arg21[%dma_start3A_548] : memref<1007616xf32, #tpu.memory_space<vmem_shared>> -> memref<1007616xf32, #tpu.memory_space<vmem_shared>>
        tpu.enqueue_indirect_dma source(%dma_start3A_547 : memref<128xf32, #tpu.memory_space<vmem>>) target(%dma_start3A_549 : memref<1007616xf32, #tpu.memory_space<vmem_shared>>) offsets(%arg16 : memref<128xi32, #tpu.memory_space<vmem>>) semaphore(%run_scoped3A : memref<!tpu.dma_semaphore, #tpu.memory_space<semaphore_mem>>)
        %dma_wait3A_550 = arith.constant 0 : i32
        %dma_wait3A_551 = tpu.memref_slice %arg12[%dma_wait3A_550] : memref<7872xf32, #tpu.memory_space<vmem>> -> memref<128xf32, #tpu.memory_space<vmem>>
        %dma_wait3A_552 = arith.constant 0 : i32
        %dma_wait3A_553 = tpu.memref_slice %arg21[%dma_wait3A_552] : memref<1007616xf32, #tpu.memory_space<vmem_shared>> -> memref<1007616xf32, #tpu.memory_space<vmem_shared>>
        tpu.wait_indirect_dma semaphore(%run_scoped3A : memref<!tpu.dma_semaphore, #tpu.memory_space<semaphore_mem>>) src(%dma_wait3A_551 : memref<128xf32, #tpu.memory_space<vmem>>) dst(%dma_wait3A_553 : memref<1007616xf32, #tpu.memory_space<vmem_shared>>)
        tpu.yield
      }) : () -> ()
    } else {
    }
    %barrier3A_289 = arith.constant 0 : index
    tpu.barrier barrier_id(%barrier3A_289)
    %mul3A_290 = arith.constant 62976 : i32
    %mul3A_291 = arith.muli %arg1, %mul3A_290 : i32
    %add3A_292 = arith.constant 0 : i32
    %add3A_293 = arith.addi %mul3A_291, %add3A_292 : i32
    "tpu.region"() ({
      %run_scoped3A = tpu.sem_alloc : memref<!tpu.dma_semaphore, #tpu.memory_space<semaphore_mem>>
      %dma_start3A_546 = tpu.memref_slice %arg21[%add3A_293] : memref<1007616xf32, #tpu.memory_space<vmem_shared>> -> memref<7872xf32, #tpu.memory_space<vmem_shared>>
      %dma_start3A_547 = tpu.memref_slice %arg21[%add3A_293] : memref<1007616xf32, #tpu.memory_space<vmem_shared>> -> memref<7872xf32, #tpu.memory_space<vmem_shared>>
      tpu.enqueue_dma source(%dma_start3A_547 : memref<7872xf32, #tpu.memory_space<vmem_shared>>) target(%arg12 : memref<7872xf32, #tpu.memory_space<vmem>>) target_semaphore(%run_scoped3A : memref<!tpu.dma_semaphore, #tpu.memory_space<semaphore_mem>>)
      %dma_wait3A_548 = tpu.memref_slice %arg21[%add3A_293] : memref<1007616xf32, #tpu.memory_space<vmem_shared>> -> memref<7872xf32, #tpu.memory_space<vmem_shared>>
      %dma_wait3A_549 = tpu.memref_slice %arg21[%add3A_293] : memref<1007616xf32, #tpu.memory_space<vmem_shared>> -> memref<7872xf32, #tpu.memory_space<vmem_shared>>
      tpu.wait_dma2 semaphore(%run_scoped3A : memref<!tpu.dma_semaphore, #tpu.memory_space<semaphore_mem>>) src(%dma_wait3A_549 : memref<7872xf32, #tpu.memory_space<vmem_shared>>) dst(%arg12 : memref<7872xf32, #tpu.memory_space<vmem>>)
      tpu.yield
    }) : () -> ()
    %mul3A_294 = arith.constant 62976 : i32
    %mul3A_295 = arith.muli %arg1, %mul3A_294 : i32
    %add3A_296 = arith.constant 0 : i32
    %add3A_297 = arith.addi %mul3A_295, %add3A_296 : i32
    %eq3A_298 = arith.constant 0 : i32
    %eq3A_299 = arith.cmpi eq, %arg0, %eq3A_298 : i32
    %convert_element_type3A_300 = arith.extui %eq3A_299 : i1 to i32
    %cond3A_301 = arith.constant 0 : i32
    %cond3A_302 = arith.cmpi ne, %convert_element_type3A_300, %cond3A_301 : i32
    scf.if %cond3A_302 {
      %dma_start3A_546 = tpu.memref_slice %arg6[%add3A_297] : memref<1007616xf32, #tpu.memory_space<hbm>> -> memref<7872xf32, #tpu.memory_space<hbm>>
      %dma_start3A_547 = tpu.memref_slice %arg6[%add3A_297] : memref<1007616xf32, #tpu.memory_space<hbm>> -> memref<7872xf32, #tpu.memory_space<hbm>>
      tpu.enqueue_dma source(%arg12 : memref<7872xf32, #tpu.memory_space<vmem>>) target(%dma_start3A_547 : memref<7872xf32, #tpu.memory_space<hbm>>) target_semaphore(%arg19 : memref<!tpu.dma_semaphore, #tpu.memory_space<semaphore_mem>>)
    } else {
    }
    %eq3A_303 = arith.constant 1 : i32
    %eq3A_304 = arith.cmpi eq, %arg0, %eq3A_303 : i32
    %convert_element_type3A_305 = arith.extui %eq3A_304 : i1 to i32
    %cond3A_306 = arith.constant 0 : i32
    %cond3A_307 = arith.cmpi ne, %convert_element_type3A_305, %cond3A_306 : i32
    scf.if %cond3A_307 {
      %dma_start3A_546 = tpu.memref_slice %arg7[%add3A_297] : memref<1007616xf32, #tpu.memory_space<hbm>> -> memref<7872xf32, #tpu.memory_space<hbm>>
      %dma_start3A_547 = tpu.memref_slice %arg7[%add3A_297] : memref<1007616xf32, #tpu.memory_space<hbm>> -> memref<7872xf32, #tpu.memory_space<hbm>>
      tpu.enqueue_dma source(%arg12 : memref<7872xf32, #tpu.memory_space<vmem>>) target(%dma_start3A_547 : memref<7872xf32, #tpu.memory_space<hbm>>) target_semaphore(%arg19 : memref<!tpu.dma_semaphore, #tpu.memory_space<semaphore_mem>>)
    } else {
    }
    %mul3A_308 = arith.constant 62976 : i32
    %mul3A_309 = arith.muli %arg1, %mul3A_308 : i32
    %add3A_310 = arith.constant 7872 : i32
    %add3A_311 = arith.addi %mul3A_309, %add3A_310 : i32
    "tpu.region"() ({
      %run_scoped3A = tpu.sem_alloc : memref<!tpu.dma_semaphore, #tpu.memory_space<semaphore_mem>>
      %dma_start3A_546 = tpu.memref_slice %arg21[%add3A_311] : memref<1007616xf32, #tpu.memory_space<vmem_shared>> -> memref<7872xf32, #tpu.memory_space<vmem_shared>>
      %dma_start3A_547 = tpu.memref_slice %arg21[%add3A_311] : memref<1007616xf32, #tpu.memory_space<vmem_shared>> -> memref<7872xf32, #tpu.memory_space<vmem_shared>>
      tpu.enqueue_dma source(%dma_start3A_547 : memref<7872xf32, #tpu.memory_space<vmem_shared>>) target(%arg13 : memref<7872xf32, #tpu.memory_space<vmem>>) target_semaphore(%run_scoped3A : memref<!tpu.dma_semaphore, #tpu.memory_space<semaphore_mem>>)
      %dma_wait3A_548 = tpu.memref_slice %arg21[%add3A_311] : memref<1007616xf32, #tpu.memory_space<vmem_shared>> -> memref<7872xf32, #tpu.memory_space<vmem_shared>>
      %dma_wait3A_549 = tpu.memref_slice %arg21[%add3A_311] : memref<1007616xf32, #tpu.memory_space<vmem_shared>> -> memref<7872xf32, #tpu.memory_space<vmem_shared>>
      tpu.wait_dma2 semaphore(%run_scoped3A : memref<!tpu.dma_semaphore, #tpu.memory_space<semaphore_mem>>) src(%dma_wait3A_549 : memref<7872xf32, #tpu.memory_space<vmem_shared>>) dst(%arg13 : memref<7872xf32, #tpu.memory_space<vmem>>)
      tpu.yield
    }) : () -> ()
    %mul3A_312 = arith.constant 62976 : i32
    %mul3A_313 = arith.muli %arg1, %mul3A_312 : i32
    %add3A_314 = arith.constant 7872 : i32
    %add3A_315 = arith.addi %mul3A_313, %add3A_314 : i32
    %eq3A_316 = arith.constant 0 : i32
    %eq3A_317 = arith.cmpi eq, %arg0, %eq3A_316 : i32
    %convert_element_type3A_318 = arith.extui %eq3A_317 : i1 to i32
    %cond3A_319 = arith.constant 0 : i32
    %cond3A_320 = arith.cmpi ne, %convert_element_type3A_318, %cond3A_319 : i32
    scf.if %cond3A_320 {
      %dma_start3A_546 = tpu.memref_slice %arg6[%add3A_315] : memref<1007616xf32, #tpu.memory_space<hbm>> -> memref<7872xf32, #tpu.memory_space<hbm>>
      %dma_start3A_547 = tpu.memref_slice %arg6[%add3A_315] : memref<1007616xf32, #tpu.memory_space<hbm>> -> memref<7872xf32, #tpu.memory_space<hbm>>
      tpu.enqueue_dma source(%arg13 : memref<7872xf32, #tpu.memory_space<vmem>>) target(%dma_start3A_547 : memref<7872xf32, #tpu.memory_space<hbm>>) target_semaphore(%arg19 : memref<!tpu.dma_semaphore, #tpu.memory_space<semaphore_mem>>)
    } else {
    }
    %eq3A_321 = arith.constant 1 : i32
    %eq3A_322 = arith.cmpi eq, %arg0, %eq3A_321 : i32
    %convert_element_type3A_323 = arith.extui %eq3A_322 : i1 to i32
    %cond3A_324 = arith.constant 0 : i32
    %cond3A_325 = arith.cmpi ne, %convert_element_type3A_323, %cond3A_324 : i32
    scf.if %cond3A_325 {
      %dma_start3A_546 = tpu.memref_slice %arg7[%add3A_315] : memref<1007616xf32, #tpu.memory_space<hbm>> -> memref<7872xf32, #tpu.memory_space<hbm>>
      %dma_start3A_547 = tpu.memref_slice %arg7[%add3A_315] : memref<1007616xf32, #tpu.memory_space<hbm>> -> memref<7872xf32, #tpu.memory_space<hbm>>
      tpu.enqueue_dma source(%arg13 : memref<7872xf32, #tpu.memory_space<vmem>>) target(%dma_start3A_547 : memref<7872xf32, #tpu.memory_space<hbm>>) target_semaphore(%arg19 : memref<!tpu.dma_semaphore, #tpu.memory_space<semaphore_mem>>)
    } else {
    }
    %mul3A_326 = arith.constant 62976 : i32
    %mul3A_327 = arith.muli %arg1, %mul3A_326 : i32
    %add3A_328 = arith.constant 0 : i32
    %add3A_329 = arith.addi %mul3A_327, %add3A_328 : i32
    %eq3A_330 = arith.constant 0 : i32
    %eq3A_331 = arith.cmpi eq, %arg0, %eq3A_330 : i32
    %convert_element_type3A_332 = arith.extui %eq3A_331 : i1 to i32
    %cond3A_333 = arith.constant 0 : i32
    %cond3A_334 = arith.cmpi ne, %convert_element_type3A_332, %cond3A_333 : i32
    scf.if %cond3A_334 {
      %dma_wait3A_546 = tpu.memref_slice %arg6[%add3A_329] : memref<1007616xf32, #tpu.memory_space<hbm>> -> memref<7872xf32, #tpu.memory_space<hbm>>
      %dma_wait3A_547 = tpu.memref_slice %arg6[%add3A_329] : memref<1007616xf32, #tpu.memory_space<hbm>> -> memref<7872xf32, #tpu.memory_space<hbm>>
      tpu.wait_dma2 semaphore(%arg19 : memref<!tpu.dma_semaphore, #tpu.memory_space<semaphore_mem>>) src(%arg12 : memref<7872xf32, #tpu.memory_space<vmem>>) dst(%dma_wait3A_547 : memref<7872xf32, #tpu.memory_space<hbm>>)
    } else {
    }
    %eq3A_335 = arith.constant 1 : i32
    %eq3A_336 = arith.cmpi eq, %arg0, %eq3A_335 : i32
    %convert_element_type3A_337 = arith.extui %eq3A_336 : i1 to i32
    %cond3A_338 = arith.constant 0 : i32
    %cond3A_339 = arith.cmpi ne, %convert_element_type3A_337, %cond3A_338 : i32
    scf.if %cond3A_339 {
      %dma_wait3A_546 = tpu.memref_slice %arg7[%add3A_329] : memref<1007616xf32, #tpu.memory_space<hbm>> -> memref<7872xf32, #tpu.memory_space<hbm>>
      %dma_wait3A_547 = tpu.memref_slice %arg7[%add3A_329] : memref<1007616xf32, #tpu.memory_space<hbm>> -> memref<7872xf32, #tpu.memory_space<hbm>>
      tpu.wait_dma2 semaphore(%arg19 : memref<!tpu.dma_semaphore, #tpu.memory_space<semaphore_mem>>) src(%arg12 : memref<7872xf32, #tpu.memory_space<vmem>>) dst(%dma_wait3A_547 : memref<7872xf32, #tpu.memory_space<hbm>>)
    } else {
    }
    %mul3A_340 = arith.constant 62976 : i32
    %mul3A_341 = arith.muli %arg1, %mul3A_340 : i32
    %add3A_342 = arith.constant 15744 : i32
    %add3A_343 = arith.addi %mul3A_341, %add3A_342 : i32
    "tpu.region"() ({
      %run_scoped3A = tpu.sem_alloc : memref<!tpu.dma_semaphore, #tpu.memory_space<semaphore_mem>>
      %dma_start3A_546 = tpu.memref_slice %arg21[%add3A_343] : memref<1007616xf32, #tpu.memory_space<vmem_shared>> -> memref<7872xf32, #tpu.memory_space<vmem_shared>>
      %dma_start3A_547 = tpu.memref_slice %arg21[%add3A_343] : memref<1007616xf32, #tpu.memory_space<vmem_shared>> -> memref<7872xf32, #tpu.memory_space<vmem_shared>>
      tpu.enqueue_dma source(%dma_start3A_547 : memref<7872xf32, #tpu.memory_space<vmem_shared>>) target(%arg12 : memref<7872xf32, #tpu.memory_space<vmem>>) target_semaphore(%run_scoped3A : memref<!tpu.dma_semaphore, #tpu.memory_space<semaphore_mem>>)
      %dma_wait3A_548 = tpu.memref_slice %arg21[%add3A_343] : memref<1007616xf32, #tpu.memory_space<vmem_shared>> -> memref<7872xf32, #tpu.memory_space<vmem_shared>>
      %dma_wait3A_549 = tpu.memref_slice %arg21[%add3A_343] : memref<1007616xf32, #tpu.memory_space<vmem_shared>> -> memref<7872xf32, #tpu.memory_space<vmem_shared>>
      tpu.wait_dma2 semaphore(%run_scoped3A : memref<!tpu.dma_semaphore, #tpu.memory_space<semaphore_mem>>) src(%dma_wait3A_549 : memref<7872xf32, #tpu.memory_space<vmem_shared>>) dst(%arg12 : memref<7872xf32, #tpu.memory_space<vmem>>)
      tpu.yield
    }) : () -> ()
    %mul3A_344 = arith.constant 62976 : i32
    %mul3A_345 = arith.muli %arg1, %mul3A_344 : i32
    %add3A_346 = arith.constant 15744 : i32
    %add3A_347 = arith.addi %mul3A_345, %add3A_346 : i32
    %eq3A_348 = arith.constant 0 : i32
    %eq3A_349 = arith.cmpi eq, %arg0, %eq3A_348 : i32
    %convert_element_type3A_350 = arith.extui %eq3A_349 : i1 to i32
    %cond3A_351 = arith.constant 0 : i32
    %cond3A_352 = arith.cmpi ne, %convert_element_type3A_350, %cond3A_351 : i32
    scf.if %cond3A_352 {
      %dma_start3A_546 = tpu.memref_slice %arg6[%add3A_347] : memref<1007616xf32, #tpu.memory_space<hbm>> -> memref<7872xf32, #tpu.memory_space<hbm>>
      %dma_start3A_547 = tpu.memref_slice %arg6[%add3A_347] : memref<1007616xf32, #tpu.memory_space<hbm>> -> memref<7872xf32, #tpu.memory_space<hbm>>
      tpu.enqueue_dma source(%arg12 : memref<7872xf32, #tpu.memory_space<vmem>>) target(%dma_start3A_547 : memref<7872xf32, #tpu.memory_space<hbm>>) target_semaphore(%arg19 : memref<!tpu.dma_semaphore, #tpu.memory_space<semaphore_mem>>)
    } else {
    }
    %eq3A_353 = arith.constant 1 : i32
    %eq3A_354 = arith.cmpi eq, %arg0, %eq3A_353 : i32
    %convert_element_type3A_355 = arith.extui %eq3A_354 : i1 to i32
    %cond3A_356 = arith.constant 0 : i32
    %cond3A_357 = arith.cmpi ne, %convert_element_type3A_355, %cond3A_356 : i32
    scf.if %cond3A_357 {
      %dma_start3A_546 = tpu.memref_slice %arg7[%add3A_347] : memref<1007616xf32, #tpu.memory_space<hbm>> -> memref<7872xf32, #tpu.memory_space<hbm>>
      %dma_start3A_547 = tpu.memref_slice %arg7[%add3A_347] : memref<1007616xf32, #tpu.memory_space<hbm>> -> memref<7872xf32, #tpu.memory_space<hbm>>
      tpu.enqueue_dma source(%arg12 : memref<7872xf32, #tpu.memory_space<vmem>>) target(%dma_start3A_547 : memref<7872xf32, #tpu.memory_space<hbm>>) target_semaphore(%arg19 : memref<!tpu.dma_semaphore, #tpu.memory_space<semaphore_mem>>)
    } else {
    }
    %mul3A_358 = arith.constant 62976 : i32
    %mul3A_359 = arith.muli %arg1, %mul3A_358 : i32
    %add3A_360 = arith.constant 7872 : i32
    %add3A_361 = arith.addi %mul3A_359, %add3A_360 : i32
    %eq3A_362 = arith.constant 0 : i32
    %eq3A_363 = arith.cmpi eq, %arg0, %eq3A_362 : i32
    %convert_element_type3A_364 = arith.extui %eq3A_363 : i1 to i32
    %cond3A_365 = arith.constant 0 : i32
    %cond3A_366 = arith.cmpi ne, %convert_element_type3A_364, %cond3A_365 : i32
    scf.if %cond3A_366 {
      %dma_wait3A_546 = tpu.memref_slice %arg6[%add3A_361] : memref<1007616xf32, #tpu.memory_space<hbm>> -> memref<7872xf32, #tpu.memory_space<hbm>>
      %dma_wait3A_547 = tpu.memref_slice %arg6[%add3A_361] : memref<1007616xf32, #tpu.memory_space<hbm>> -> memref<7872xf32, #tpu.memory_space<hbm>>
      tpu.wait_dma2 semaphore(%arg19 : memref<!tpu.dma_semaphore, #tpu.memory_space<semaphore_mem>>) src(%arg13 : memref<7872xf32, #tpu.memory_space<vmem>>) dst(%dma_wait3A_547 : memref<7872xf32, #tpu.memory_space<hbm>>)
    } else {
    }
    %eq3A_367 = arith.constant 1 : i32
    %eq3A_368 = arith.cmpi eq, %arg0, %eq3A_367 : i32
    %convert_element_type3A_369 = arith.extui %eq3A_368 : i1 to i32
    %cond3A_370 = arith.constant 0 : i32
    %cond3A_371 = arith.cmpi ne, %convert_element_type3A_369, %cond3A_370 : i32
    scf.if %cond3A_371 {
      %dma_wait3A_546 = tpu.memref_slice %arg7[%add3A_361] : memref<1007616xf32, #tpu.memory_space<hbm>> -> memref<7872xf32, #tpu.memory_space<hbm>>
      %dma_wait3A_547 = tpu.memref_slice %arg7[%add3A_361] : memref<1007616xf32, #tpu.memory_space<hbm>> -> memref<7872xf32, #tpu.memory_space<hbm>>
      tpu.wait_dma2 semaphore(%arg19 : memref<!tpu.dma_semaphore, #tpu.memory_space<semaphore_mem>>) src(%arg13 : memref<7872xf32, #tpu.memory_space<vmem>>) dst(%dma_wait3A_547 : memref<7872xf32, #tpu.memory_space<hbm>>)
    } else {
    }
    %mul3A_372 = arith.constant 62976 : i32
    %mul3A_373 = arith.muli %arg1, %mul3A_372 : i32
    %add3A_374 = arith.constant 23616 : i32
    %add3A_375 = arith.addi %mul3A_373, %add3A_374 : i32
    "tpu.region"() ({
      %run_scoped3A = tpu.sem_alloc : memref<!tpu.dma_semaphore, #tpu.memory_space<semaphore_mem>>
      %dma_start3A_546 = tpu.memref_slice %arg21[%add3A_375] : memref<1007616xf32, #tpu.memory_space<vmem_shared>> -> memref<7872xf32, #tpu.memory_space<vmem_shared>>
      %dma_start3A_547 = tpu.memref_slice %arg21[%add3A_375] : memref<1007616xf32, #tpu.memory_space<vmem_shared>> -> memref<7872xf32, #tpu.memory_space<vmem_shared>>
      tpu.enqueue_dma source(%dma_start3A_547 : memref<7872xf32, #tpu.memory_space<vmem_shared>>) target(%arg13 : memref<7872xf32, #tpu.memory_space<vmem>>) target_semaphore(%run_scoped3A : memref<!tpu.dma_semaphore, #tpu.memory_space<semaphore_mem>>)
      %dma_wait3A_548 = tpu.memref_slice %arg21[%add3A_375] : memref<1007616xf32, #tpu.memory_space<vmem_shared>> -> memref<7872xf32, #tpu.memory_space<vmem_shared>>
      %dma_wait3A_549 = tpu.memref_slice %arg21[%add3A_375] : memref<1007616xf32, #tpu.memory_space<vmem_shared>> -> memref<7872xf32, #tpu.memory_space<vmem_shared>>
      tpu.wait_dma2 semaphore(%run_scoped3A : memref<!tpu.dma_semaphore, #tpu.memory_space<semaphore_mem>>) src(%dma_wait3A_549 : memref<7872xf32, #tpu.memory_space<vmem_shared>>) dst(%arg13 : memref<7872xf32, #tpu.memory_space<vmem>>)
      tpu.yield
    }) : () -> ()
    %mul3A_376 = arith.constant 62976 : i32
    %mul3A_377 = arith.muli %arg1, %mul3A_376 : i32
    %add3A_378 = arith.constant 23616 : i32
    %add3A_379 = arith.addi %mul3A_377, %add3A_378 : i32
    %eq3A_380 = arith.constant 0 : i32
    %eq3A_381 = arith.cmpi eq, %arg0, %eq3A_380 : i32
    %convert_element_type3A_382 = arith.extui %eq3A_381 : i1 to i32
    %cond3A_383 = arith.constant 0 : i32
    %cond3A_384 = arith.cmpi ne, %convert_element_type3A_382, %cond3A_383 : i32
    scf.if %cond3A_384 {
      %dma_start3A_546 = tpu.memref_slice %arg6[%add3A_379] : memref<1007616xf32, #tpu.memory_space<hbm>> -> memref<7872xf32, #tpu.memory_space<hbm>>
      %dma_start3A_547 = tpu.memref_slice %arg6[%add3A_379] : memref<1007616xf32, #tpu.memory_space<hbm>> -> memref<7872xf32, #tpu.memory_space<hbm>>
      tpu.enqueue_dma source(%arg13 : memref<7872xf32, #tpu.memory_space<vmem>>) target(%dma_start3A_547 : memref<7872xf32, #tpu.memory_space<hbm>>) target_semaphore(%arg19 : memref<!tpu.dma_semaphore, #tpu.memory_space<semaphore_mem>>)
    } else {
    }
    %eq3A_385 = arith.constant 1 : i32
    %eq3A_386 = arith.cmpi eq, %arg0, %eq3A_385 : i32
    %convert_element_type3A_387 = arith.extui %eq3A_386 : i1 to i32
    %cond3A_388 = arith.constant 0 : i32
    %cond3A_389 = arith.cmpi ne, %convert_element_type3A_387, %cond3A_388 : i32
    scf.if %cond3A_389 {
      %dma_start3A_546 = tpu.memref_slice %arg7[%add3A_379] : memref<1007616xf32, #tpu.memory_space<hbm>> -> memref<7872xf32, #tpu.memory_space<hbm>>
      %dma_start3A_547 = tpu.memref_slice %arg7[%add3A_379] : memref<1007616xf32, #tpu.memory_space<hbm>> -> memref<7872xf32, #tpu.memory_space<hbm>>
      tpu.enqueue_dma source(%arg13 : memref<7872xf32, #tpu.memory_space<vmem>>) target(%dma_start3A_547 : memref<7872xf32, #tpu.memory_space<hbm>>) target_semaphore(%arg19 : memref<!tpu.dma_semaphore, #tpu.memory_space<semaphore_mem>>)
    } else {
    }
    %mul3A_390 = arith.constant 62976 : i32
    %mul3A_391 = arith.muli %arg1, %mul3A_390 : i32
    %add3A_392 = arith.constant 15744 : i32
    %add3A_393 = arith.addi %mul3A_391, %add3A_392 : i32
    %eq3A_394 = arith.constant 0 : i32
    %eq3A_395 = arith.cmpi eq, %arg0, %eq3A_394 : i32
    %convert_element_type3A_396 = arith.extui %eq3A_395 : i1 to i32
    %cond3A_397 = arith.constant 0 : i32
    %cond3A_398 = arith.cmpi ne, %convert_element_type3A_396, %cond3A_397 : i32
    scf.if %cond3A_398 {
      %dma_wait3A_546 = tpu.memref_slice %arg6[%add3A_393] : memref<1007616xf32, #tpu.memory_space<hbm>> -> memref<7872xf32, #tpu.memory_space<hbm>>
      %dma_wait3A_547 = tpu.memref_slice %arg6[%add3A_393] : memref<1007616xf32, #tpu.memory_space<hbm>> -> memref<7872xf32, #tpu.memory_space<hbm>>
      tpu.wait_dma2 semaphore(%arg19 : memref<!tpu.dma_semaphore, #tpu.memory_space<semaphore_mem>>) src(%arg12 : memref<7872xf32, #tpu.memory_space<vmem>>) dst(%dma_wait3A_547 : memref<7872xf32, #tpu.memory_space<hbm>>)
    } else {
    }
    %eq3A_399 = arith.constant 1 : i32
    %eq3A_400 = arith.cmpi eq, %arg0, %eq3A_399 : i32
    %convert_element_type3A_401 = arith.extui %eq3A_400 : i1 to i32
    %cond3A_402 = arith.constant 0 : i32
    %cond3A_403 = arith.cmpi ne, %convert_element_type3A_401, %cond3A_402 : i32
    scf.if %cond3A_403 {
      %dma_wait3A_546 = tpu.memref_slice %arg7[%add3A_393] : memref<1007616xf32, #tpu.memory_space<hbm>> -> memref<7872xf32, #tpu.memory_space<hbm>>
      %dma_wait3A_547 = tpu.memref_slice %arg7[%add3A_393] : memref<1007616xf32, #tpu.memory_space<hbm>> -> memref<7872xf32, #tpu.memory_space<hbm>>
      tpu.wait_dma2 semaphore(%arg19 : memref<!tpu.dma_semaphore, #tpu.memory_space<semaphore_mem>>) src(%arg12 : memref<7872xf32, #tpu.memory_space<vmem>>) dst(%dma_wait3A_547 : memref<7872xf32, #tpu.memory_space<hbm>>)
    } else {
    }
    %mul3A_404 = arith.constant 62976 : i32
    %mul3A_405 = arith.muli %arg1, %mul3A_404 : i32
    %add3A_406 = arith.constant 31488 : i32
    %add3A_407 = arith.addi %mul3A_405, %add3A_406 : i32
    "tpu.region"() ({
      %run_scoped3A = tpu.sem_alloc : memref<!tpu.dma_semaphore, #tpu.memory_space<semaphore_mem>>
      %dma_start3A_546 = tpu.memref_slice %arg21[%add3A_407] : memref<1007616xf32, #tpu.memory_space<vmem_shared>> -> memref<7872xf32, #tpu.memory_space<vmem_shared>>
      %dma_start3A_547 = tpu.memref_slice %arg21[%add3A_407] : memref<1007616xf32, #tpu.memory_space<vmem_shared>> -> memref<7872xf32, #tpu.memory_space<vmem_shared>>
      tpu.enqueue_dma source(%dma_start3A_547 : memref<7872xf32, #tpu.memory_space<vmem_shared>>) target(%arg12 : memref<7872xf32, #tpu.memory_space<vmem>>) target_semaphore(%run_scoped3A : memref<!tpu.dma_semaphore, #tpu.memory_space<semaphore_mem>>)
      %dma_wait3A_548 = tpu.memref_slice %arg21[%add3A_407] : memref<1007616xf32, #tpu.memory_space<vmem_shared>> -> memref<7872xf32, #tpu.memory_space<vmem_shared>>
      %dma_wait3A_549 = tpu.memref_slice %arg21[%add3A_407] : memref<1007616xf32, #tpu.memory_space<vmem_shared>> -> memref<7872xf32, #tpu.memory_space<vmem_shared>>
      tpu.wait_dma2 semaphore(%run_scoped3A : memref<!tpu.dma_semaphore, #tpu.memory_space<semaphore_mem>>) src(%dma_wait3A_549 : memref<7872xf32, #tpu.memory_space<vmem_shared>>) dst(%arg12 : memref<7872xf32, #tpu.memory_space<vmem>>)
      tpu.yield
    }) : () -> ()
    %mul3A_408 = arith.constant 62976 : i32
    %mul3A_409 = arith.muli %arg1, %mul3A_408 : i32
    %add3A_410 = arith.constant 31488 : i32
    %add3A_411 = arith.addi %mul3A_409, %add3A_410 : i32
    %eq3A_412 = arith.constant 0 : i32
    %eq3A_413 = arith.cmpi eq, %arg0, %eq3A_412 : i32
    %convert_element_type3A_414 = arith.extui %eq3A_413 : i1 to i32
    %cond3A_415 = arith.constant 0 : i32
    %cond3A_416 = arith.cmpi ne, %convert_element_type3A_414, %cond3A_415 : i32
    scf.if %cond3A_416 {
      %dma_start3A_546 = tpu.memref_slice %arg6[%add3A_411] : memref<1007616xf32, #tpu.memory_space<hbm>> -> memref<7872xf32, #tpu.memory_space<hbm>>
      %dma_start3A_547 = tpu.memref_slice %arg6[%add3A_411] : memref<1007616xf32, #tpu.memory_space<hbm>> -> memref<7872xf32, #tpu.memory_space<hbm>>
      tpu.enqueue_dma source(%arg12 : memref<7872xf32, #tpu.memory_space<vmem>>) target(%dma_start3A_547 : memref<7872xf32, #tpu.memory_space<hbm>>) target_semaphore(%arg19 : memref<!tpu.dma_semaphore, #tpu.memory_space<semaphore_mem>>)
    } else {
    }
    %eq3A_417 = arith.constant 1 : i32
    %eq3A_418 = arith.cmpi eq, %arg0, %eq3A_417 : i32
    %convert_element_type3A_419 = arith.extui %eq3A_418 : i1 to i32
    %cond3A_420 = arith.constant 0 : i32
    %cond3A_421 = arith.cmpi ne, %convert_element_type3A_419, %cond3A_420 : i32
    scf.if %cond3A_421 {
      %dma_start3A_546 = tpu.memref_slice %arg7[%add3A_411] : memref<1007616xf32, #tpu.memory_space<hbm>> -> memref<7872xf32, #tpu.memory_space<hbm>>
      %dma_start3A_547 = tpu.memref_slice %arg7[%add3A_411] : memref<1007616xf32, #tpu.memory_space<hbm>> -> memref<7872xf32, #tpu.memory_space<hbm>>
      tpu.enqueue_dma source(%arg12 : memref<7872xf32, #tpu.memory_space<vmem>>) target(%dma_start3A_547 : memref<7872xf32, #tpu.memory_space<hbm>>) target_semaphore(%arg19 : memref<!tpu.dma_semaphore, #tpu.memory_space<semaphore_mem>>)
    } else {
    }
    %mul3A_422 = arith.constant 62976 : i32
    %mul3A_423 = arith.muli %arg1, %mul3A_422 : i32
    %add3A_424 = arith.constant 23616 : i32
    %add3A_425 = arith.addi %mul3A_423, %add3A_424 : i32
    %eq3A_426 = arith.constant 0 : i32
    %eq3A_427 = arith.cmpi eq, %arg0, %eq3A_426 : i32
    %convert_element_type3A_428 = arith.extui %eq3A_427 : i1 to i32
    %cond3A_429 = arith.constant 0 : i32
    %cond3A_430 = arith.cmpi ne, %convert_element_type3A_428, %cond3A_429 : i32
    scf.if %cond3A_430 {
      %dma_wait3A_546 = tpu.memref_slice %arg6[%add3A_425] : memref<1007616xf32, #tpu.memory_space<hbm>> -> memref<7872xf32, #tpu.memory_space<hbm>>
      %dma_wait3A_547 = tpu.memref_slice %arg6[%add3A_425] : memref<1007616xf32, #tpu.memory_space<hbm>> -> memref<7872xf32, #tpu.memory_space<hbm>>
      tpu.wait_dma2 semaphore(%arg19 : memref<!tpu.dma_semaphore, #tpu.memory_space<semaphore_mem>>) src(%arg13 : memref<7872xf32, #tpu.memory_space<vmem>>) dst(%dma_wait3A_547 : memref<7872xf32, #tpu.memory_space<hbm>>)
    } else {
    }
    %eq3A_431 = arith.constant 1 : i32
    %eq3A_432 = arith.cmpi eq, %arg0, %eq3A_431 : i32
    %convert_element_type3A_433 = arith.extui %eq3A_432 : i1 to i32
    %cond3A_434 = arith.constant 0 : i32
    %cond3A_435 = arith.cmpi ne, %convert_element_type3A_433, %cond3A_434 : i32
    scf.if %cond3A_435 {
      %dma_wait3A_546 = tpu.memref_slice %arg7[%add3A_425] : memref<1007616xf32, #tpu.memory_space<hbm>> -> memref<7872xf32, #tpu.memory_space<hbm>>
      %dma_wait3A_547 = tpu.memref_slice %arg7[%add3A_425] : memref<1007616xf32, #tpu.memory_space<hbm>> -> memref<7872xf32, #tpu.memory_space<hbm>>
      tpu.wait_dma2 semaphore(%arg19 : memref<!tpu.dma_semaphore, #tpu.memory_space<semaphore_mem>>) src(%arg13 : memref<7872xf32, #tpu.memory_space<vmem>>) dst(%dma_wait3A_547 : memref<7872xf32, #tpu.memory_space<hbm>>)
    } else {
    }
    %mul3A_436 = arith.constant 62976 : i32
    %mul3A_437 = arith.muli %arg1, %mul3A_436 : i32
    %add3A_438 = arith.constant 39360 : i32
    %add3A_439 = arith.addi %mul3A_437, %add3A_438 : i32
    "tpu.region"() ({
      %run_scoped3A = tpu.sem_alloc : memref<!tpu.dma_semaphore, #tpu.memory_space<semaphore_mem>>
      %dma_start3A_546 = tpu.memref_slice %arg21[%add3A_439] : memref<1007616xf32, #tpu.memory_space<vmem_shared>> -> memref<7872xf32, #tpu.memory_space<vmem_shared>>
      %dma_start3A_547 = tpu.memref_slice %arg21[%add3A_439] : memref<1007616xf32, #tpu.memory_space<vmem_shared>> -> memref<7872xf32, #tpu.memory_space<vmem_shared>>
      tpu.enqueue_dma source(%dma_start3A_547 : memref<7872xf32, #tpu.memory_space<vmem_shared>>) target(%arg13 : memref<7872xf32, #tpu.memory_space<vmem>>) target_semaphore(%run_scoped3A : memref<!tpu.dma_semaphore, #tpu.memory_space<semaphore_mem>>)
      %dma_wait3A_548 = tpu.memref_slice %arg21[%add3A_439] : memref<1007616xf32, #tpu.memory_space<vmem_shared>> -> memref<7872xf32, #tpu.memory_space<vmem_shared>>
      %dma_wait3A_549 = tpu.memref_slice %arg21[%add3A_439] : memref<1007616xf32, #tpu.memory_space<vmem_shared>> -> memref<7872xf32, #tpu.memory_space<vmem_shared>>
      tpu.wait_dma2 semaphore(%run_scoped3A : memref<!tpu.dma_semaphore, #tpu.memory_space<semaphore_mem>>) src(%dma_wait3A_549 : memref<7872xf32, #tpu.memory_space<vmem_shared>>) dst(%arg13 : memref<7872xf32, #tpu.memory_space<vmem>>)
      tpu.yield
    }) : () -> ()
    %mul3A_440 = arith.constant 62976 : i32
    %mul3A_441 = arith.muli %arg1, %mul3A_440 : i32
    %add3A_442 = arith.constant 39360 : i32
    %add3A_443 = arith.addi %mul3A_441, %add3A_442 : i32
    %eq3A_444 = arith.constant 0 : i32
    %eq3A_445 = arith.cmpi eq, %arg0, %eq3A_444 : i32
    %convert_element_type3A_446 = arith.extui %eq3A_445 : i1 to i32
    %cond3A_447 = arith.constant 0 : i32
    %cond3A_448 = arith.cmpi ne, %convert_element_type3A_446, %cond3A_447 : i32
    scf.if %cond3A_448 {
      %dma_start3A_546 = tpu.memref_slice %arg6[%add3A_443] : memref<1007616xf32, #tpu.memory_space<hbm>> -> memref<7872xf32, #tpu.memory_space<hbm>>
      %dma_start3A_547 = tpu.memref_slice %arg6[%add3A_443] : memref<1007616xf32, #tpu.memory_space<hbm>> -> memref<7872xf32, #tpu.memory_space<hbm>>
      tpu.enqueue_dma source(%arg13 : memref<7872xf32, #tpu.memory_space<vmem>>) target(%dma_start3A_547 : memref<7872xf32, #tpu.memory_space<hbm>>) target_semaphore(%arg19 : memref<!tpu.dma_semaphore, #tpu.memory_space<semaphore_mem>>)
    } else {
    }
    %eq3A_449 = arith.constant 1 : i32
    %eq3A_450 = arith.cmpi eq, %arg0, %eq3A_449 : i32
    %convert_element_type3A_451 = arith.extui %eq3A_450 : i1 to i32
    %cond3A_452 = arith.constant 0 : i32
    %cond3A_453 = arith.cmpi ne, %convert_element_type3A_451, %cond3A_452 : i32
    scf.if %cond3A_453 {
      %dma_start3A_546 = tpu.memref_slice %arg7[%add3A_443] : memref<1007616xf32, #tpu.memory_space<hbm>> -> memref<7872xf32, #tpu.memory_space<hbm>>
      %dma_start3A_547 = tpu.memref_slice %arg7[%add3A_443] : memref<1007616xf32, #tpu.memory_space<hbm>> -> memref<7872xf32, #tpu.memory_space<hbm>>
      tpu.enqueue_dma source(%arg13 : memref<7872xf32, #tpu.memory_space<vmem>>) target(%dma_start3A_547 : memref<7872xf32, #tpu.memory_space<hbm>>) target_semaphore(%arg19 : memref<!tpu.dma_semaphore, #tpu.memory_space<semaphore_mem>>)
    } else {
    }
    %mul3A_454 = arith.constant 62976 : i32
    %mul3A_455 = arith.muli %arg1, %mul3A_454 : i32
    %add3A_456 = arith.constant 31488 : i32
    %add3A_457 = arith.addi %mul3A_455, %add3A_456 : i32
    %eq3A_458 = arith.constant 0 : i32
    %eq3A_459 = arith.cmpi eq, %arg0, %eq3A_458 : i32
    %convert_element_type3A_460 = arith.extui %eq3A_459 : i1 to i32
    %cond3A_461 = arith.constant 0 : i32
    %cond3A_462 = arith.cmpi ne, %convert_element_type3A_460, %cond3A_461 : i32
    scf.if %cond3A_462 {
      %dma_wait3A_546 = tpu.memref_slice %arg6[%add3A_457] : memref<1007616xf32, #tpu.memory_space<hbm>> -> memref<7872xf32, #tpu.memory_space<hbm>>
      %dma_wait3A_547 = tpu.memref_slice %arg6[%add3A_457] : memref<1007616xf32, #tpu.memory_space<hbm>> -> memref<7872xf32, #tpu.memory_space<hbm>>
      tpu.wait_dma2 semaphore(%arg19 : memref<!tpu.dma_semaphore, #tpu.memory_space<semaphore_mem>>) src(%arg12 : memref<7872xf32, #tpu.memory_space<vmem>>) dst(%dma_wait3A_547 : memref<7872xf32, #tpu.memory_space<hbm>>)
    } else {
    }
    %eq3A_463 = arith.constant 1 : i32
    %eq3A_464 = arith.cmpi eq, %arg0, %eq3A_463 : i32
    %convert_element_type3A_465 = arith.extui %eq3A_464 : i1 to i32
    %cond3A_466 = arith.constant 0 : i32
    %cond3A_467 = arith.cmpi ne, %convert_element_type3A_465, %cond3A_466 : i32
    scf.if %cond3A_467 {
      %dma_wait3A_546 = tpu.memref_slice %arg7[%add3A_457] : memref<1007616xf32, #tpu.memory_space<hbm>> -> memref<7872xf32, #tpu.memory_space<hbm>>
      %dma_wait3A_547 = tpu.memref_slice %arg7[%add3A_457] : memref<1007616xf32, #tpu.memory_space<hbm>> -> memref<7872xf32, #tpu.memory_space<hbm>>
      tpu.wait_dma2 semaphore(%arg19 : memref<!tpu.dma_semaphore, #tpu.memory_space<semaphore_mem>>) src(%arg12 : memref<7872xf32, #tpu.memory_space<vmem>>) dst(%dma_wait3A_547 : memref<7872xf32, #tpu.memory_space<hbm>>)
    } else {
    }
    %mul3A_468 = arith.constant 62976 : i32
    %mul3A_469 = arith.muli %arg1, %mul3A_468 : i32
    %add3A_470 = arith.constant 47232 : i32
    %add3A_471 = arith.addi %mul3A_469, %add3A_470 : i32
    "tpu.region"() ({
      %run_scoped3A = tpu.sem_alloc : memref<!tpu.dma_semaphore, #tpu.memory_space<semaphore_mem>>
      %dma_start3A_546 = tpu.memref_slice %arg21[%add3A_471] : memref<1007616xf32, #tpu.memory_space<vmem_shared>> -> memref<7872xf32, #tpu.memory_space<vmem_shared>>
      %dma_start3A_547 = tpu.memref_slice %arg21[%add3A_471] : memref<1007616xf32, #tpu.memory_space<vmem_shared>> -> memref<7872xf32, #tpu.memory_space<vmem_shared>>
      tpu.enqueue_dma source(%dma_start3A_547 : memref<7872xf32, #tpu.memory_space<vmem_shared>>) target(%arg12 : memref<7872xf32, #tpu.memory_space<vmem>>) target_semaphore(%run_scoped3A : memref<!tpu.dma_semaphore, #tpu.memory_space<semaphore_mem>>)
      %dma_wait3A_548 = tpu.memref_slice %arg21[%add3A_471] : memref<1007616xf32, #tpu.memory_space<vmem_shared>> -> memref<7872xf32, #tpu.memory_space<vmem_shared>>
      %dma_wait3A_549 = tpu.memref_slice %arg21[%add3A_471] : memref<1007616xf32, #tpu.memory_space<vmem_shared>> -> memref<7872xf32, #tpu.memory_space<vmem_shared>>
      tpu.wait_dma2 semaphore(%run_scoped3A : memref<!tpu.dma_semaphore, #tpu.memory_space<semaphore_mem>>) src(%dma_wait3A_549 : memref<7872xf32, #tpu.memory_space<vmem_shared>>) dst(%arg12 : memref<7872xf32, #tpu.memory_space<vmem>>)
      tpu.yield
    }) : () -> ()
    %mul3A_472 = arith.constant 62976 : i32
    %mul3A_473 = arith.muli %arg1, %mul3A_472 : i32
    %add3A_474 = arith.constant 47232 : i32
    %add3A_475 = arith.addi %mul3A_473, %add3A_474 : i32
    %eq3A_476 = arith.constant 0 : i32
    %eq3A_477 = arith.cmpi eq, %arg0, %eq3A_476 : i32
    %convert_element_type3A_478 = arith.extui %eq3A_477 : i1 to i32
    %cond3A_479 = arith.constant 0 : i32
    %cond3A_480 = arith.cmpi ne, %convert_element_type3A_478, %cond3A_479 : i32
    scf.if %cond3A_480 {
      %dma_start3A_546 = tpu.memref_slice %arg6[%add3A_475] : memref<1007616xf32, #tpu.memory_space<hbm>> -> memref<7872xf32, #tpu.memory_space<hbm>>
      %dma_start3A_547 = tpu.memref_slice %arg6[%add3A_475] : memref<1007616xf32, #tpu.memory_space<hbm>> -> memref<7872xf32, #tpu.memory_space<hbm>>
      tpu.enqueue_dma source(%arg12 : memref<7872xf32, #tpu.memory_space<vmem>>) target(%dma_start3A_547 : memref<7872xf32, #tpu.memory_space<hbm>>) target_semaphore(%arg19 : memref<!tpu.dma_semaphore, #tpu.memory_space<semaphore_mem>>)
    } else {
    }
    %eq3A_481 = arith.constant 1 : i32
    %eq3A_482 = arith.cmpi eq, %arg0, %eq3A_481 : i32
    %convert_element_type3A_483 = arith.extui %eq3A_482 : i1 to i32
    %cond3A_484 = arith.constant 0 : i32
    %cond3A_485 = arith.cmpi ne, %convert_element_type3A_483, %cond3A_484 : i32
    scf.if %cond3A_485 {
      %dma_start3A_546 = tpu.memref_slice %arg7[%add3A_475] : memref<1007616xf32, #tpu.memory_space<hbm>> -> memref<7872xf32, #tpu.memory_space<hbm>>
      %dma_start3A_547 = tpu.memref_slice %arg7[%add3A_475] : memref<1007616xf32, #tpu.memory_space<hbm>> -> memref<7872xf32, #tpu.memory_space<hbm>>
      tpu.enqueue_dma source(%arg12 : memref<7872xf32, #tpu.memory_space<vmem>>) target(%dma_start3A_547 : memref<7872xf32, #tpu.memory_space<hbm>>) target_semaphore(%arg19 : memref<!tpu.dma_semaphore, #tpu.memory_space<semaphore_mem>>)
    } else {
    }
    %mul3A_486 = arith.constant 62976 : i32
    %mul3A_487 = arith.muli %arg1, %mul3A_486 : i32
    %add3A_488 = arith.constant 39360 : i32
    %add3A_489 = arith.addi %mul3A_487, %add3A_488 : i32
    %eq3A_490 = arith.constant 0 : i32
    %eq3A_491 = arith.cmpi eq, %arg0, %eq3A_490 : i32
    %convert_element_type3A_492 = arith.extui %eq3A_491 : i1 to i32
    %cond3A_493 = arith.constant 0 : i32
    %cond3A_494 = arith.cmpi ne, %convert_element_type3A_492, %cond3A_493 : i32
    scf.if %cond3A_494 {
      %dma_wait3A_546 = tpu.memref_slice %arg6[%add3A_489] : memref<1007616xf32, #tpu.memory_space<hbm>> -> memref<7872xf32, #tpu.memory_space<hbm>>
      %dma_wait3A_547 = tpu.memref_slice %arg6[%add3A_489] : memref<1007616xf32, #tpu.memory_space<hbm>> -> memref<7872xf32, #tpu.memory_space<hbm>>
      tpu.wait_dma2 semaphore(%arg19 : memref<!tpu.dma_semaphore, #tpu.memory_space<semaphore_mem>>) src(%arg13 : memref<7872xf32, #tpu.memory_space<vmem>>) dst(%dma_wait3A_547 : memref<7872xf32, #tpu.memory_space<hbm>>)
    } else {
    }
    %eq3A_495 = arith.constant 1 : i32
    %eq3A_496 = arith.cmpi eq, %arg0, %eq3A_495 : i32
    %convert_element_type3A_497 = arith.extui %eq3A_496 : i1 to i32
    %cond3A_498 = arith.constant 0 : i32
    %cond3A_499 = arith.cmpi ne, %convert_element_type3A_497, %cond3A_498 : i32
    scf.if %cond3A_499 {
      %dma_wait3A_546 = tpu.memref_slice %arg7[%add3A_489] : memref<1007616xf32, #tpu.memory_space<hbm>> -> memref<7872xf32, #tpu.memory_space<hbm>>
      %dma_wait3A_547 = tpu.memref_slice %arg7[%add3A_489] : memref<1007616xf32, #tpu.memory_space<hbm>> -> memref<7872xf32, #tpu.memory_space<hbm>>
      tpu.wait_dma2 semaphore(%arg19 : memref<!tpu.dma_semaphore, #tpu.memory_space<semaphore_mem>>) src(%arg13 : memref<7872xf32, #tpu.memory_space<vmem>>) dst(%dma_wait3A_547 : memref<7872xf32, #tpu.memory_space<hbm>>)
    } else {
    }
    %mul3A_500 = arith.constant 62976 : i32
    %mul3A_501 = arith.muli %arg1, %mul3A_500 : i32
    %add3A_502 = arith.constant 55104 : i32
    %add3A_503 = arith.addi %mul3A_501, %add3A_502 : i32
    "tpu.region"() ({
      %run_scoped3A = tpu.sem_alloc : memref<!tpu.dma_semaphore, #tpu.memory_space<semaphore_mem>>
      %dma_start3A_546 = tpu.memref_slice %arg21[%add3A_503] : memref<1007616xf32, #tpu.memory_space<vmem_shared>> -> memref<7872xf32, #tpu.memory_space<vmem_shared>>
      %dma_start3A_547 = tpu.memref_slice %arg21[%add3A_503] : memref<1007616xf32, #tpu.memory_space<vmem_shared>> -> memref<7872xf32, #tpu.memory_space<vmem_shared>>
      tpu.enqueue_dma source(%dma_start3A_547 : memref<7872xf32, #tpu.memory_space<vmem_shared>>) target(%arg13 : memref<7872xf32, #tpu.memory_space<vmem>>) target_semaphore(%run_scoped3A : memref<!tpu.dma_semaphore, #tpu.memory_space<semaphore_mem>>)
      %dma_wait3A_548 = tpu.memref_slice %arg21[%add3A_503] : memref<1007616xf32, #tpu.memory_space<vmem_shared>> -> memref<7872xf32, #tpu.memory_space<vmem_shared>>
      %dma_wait3A_549 = tpu.memref_slice %arg21[%add3A_503] : memref<1007616xf32, #tpu.memory_space<vmem_shared>> -> memref<7872xf32, #tpu.memory_space<vmem_shared>>
      tpu.wait_dma2 semaphore(%run_scoped3A : memref<!tpu.dma_semaphore, #tpu.memory_space<semaphore_mem>>) src(%dma_wait3A_549 : memref<7872xf32, #tpu.memory_space<vmem_shared>>) dst(%arg13 : memref<7872xf32, #tpu.memory_space<vmem>>)
      tpu.yield
    }) : () -> ()
    %mul3A_504 = arith.constant 62976 : i32
    %mul3A_505 = arith.muli %arg1, %mul3A_504 : i32
    %add3A_506 = arith.constant 55104 : i32
    %add3A_507 = arith.addi %mul3A_505, %add3A_506 : i32
    %eq3A_508 = arith.constant 0 : i32
    %eq3A_509 = arith.cmpi eq, %arg0, %eq3A_508 : i32
    %convert_element_type3A_510 = arith.extui %eq3A_509 : i1 to i32
    %cond3A_511 = arith.constant 0 : i32
    %cond3A_512 = arith.cmpi ne, %convert_element_type3A_510, %cond3A_511 : i32
    scf.if %cond3A_512 {
      %dma_start3A_546 = tpu.memref_slice %arg6[%add3A_507] : memref<1007616xf32, #tpu.memory_space<hbm>> -> memref<7872xf32, #tpu.memory_space<hbm>>
      %dma_start3A_547 = tpu.memref_slice %arg6[%add3A_507] : memref<1007616xf32, #tpu.memory_space<hbm>> -> memref<7872xf32, #tpu.memory_space<hbm>>
      tpu.enqueue_dma source(%arg13 : memref<7872xf32, #tpu.memory_space<vmem>>) target(%dma_start3A_547 : memref<7872xf32, #tpu.memory_space<hbm>>) target_semaphore(%arg19 : memref<!tpu.dma_semaphore, #tpu.memory_space<semaphore_mem>>)
    } else {
    }
    %eq3A_513 = arith.constant 1 : i32
    %eq3A_514 = arith.cmpi eq, %arg0, %eq3A_513 : i32
    %convert_element_type3A_515 = arith.extui %eq3A_514 : i1 to i32
    %cond3A_516 = arith.constant 0 : i32
    %cond3A_517 = arith.cmpi ne, %convert_element_type3A_515, %cond3A_516 : i32
    scf.if %cond3A_517 {
      %dma_start3A_546 = tpu.memref_slice %arg7[%add3A_507] : memref<1007616xf32, #tpu.memory_space<hbm>> -> memref<7872xf32, #tpu.memory_space<hbm>>
      %dma_start3A_547 = tpu.memref_slice %arg7[%add3A_507] : memref<1007616xf32, #tpu.memory_space<hbm>> -> memref<7872xf32, #tpu.memory_space<hbm>>
      tpu.enqueue_dma source(%arg13 : memref<7872xf32, #tpu.memory_space<vmem>>) target(%dma_start3A_547 : memref<7872xf32, #tpu.memory_space<hbm>>) target_semaphore(%arg19 : memref<!tpu.dma_semaphore, #tpu.memory_space<semaphore_mem>>)
    } else {
    }
    %mul3A_518 = arith.constant 62976 : i32
    %mul3A_519 = arith.muli %arg1, %mul3A_518 : i32
    %add3A_520 = arith.constant 47232 : i32
    %add3A_521 = arith.addi %mul3A_519, %add3A_520 : i32
    %eq3A_522 = arith.constant 0 : i32
    %eq3A_523 = arith.cmpi eq, %arg0, %eq3A_522 : i32
    %convert_element_type3A_524 = arith.extui %eq3A_523 : i1 to i32
    %cond3A_525 = arith.constant 0 : i32
    %cond3A_526 = arith.cmpi ne, %convert_element_type3A_524, %cond3A_525 : i32
    scf.if %cond3A_526 {
      %dma_wait3A_546 = tpu.memref_slice %arg6[%add3A_521] : memref<1007616xf32, #tpu.memory_space<hbm>> -> memref<7872xf32, #tpu.memory_space<hbm>>
      %dma_wait3A_547 = tpu.memref_slice %arg6[%add3A_521] : memref<1007616xf32, #tpu.memory_space<hbm>> -> memref<7872xf32, #tpu.memory_space<hbm>>
      tpu.wait_dma2 semaphore(%arg19 : memref<!tpu.dma_semaphore, #tpu.memory_space<semaphore_mem>>) src(%arg12 : memref<7872xf32, #tpu.memory_space<vmem>>) dst(%dma_wait3A_547 : memref<7872xf32, #tpu.memory_space<hbm>>)
    } else {
    }
    %eq3A_527 = arith.constant 1 : i32
    %eq3A_528 = arith.cmpi eq, %arg0, %eq3A_527 : i32
    %convert_element_type3A_529 = arith.extui %eq3A_528 : i1 to i32
    %cond3A_530 = arith.constant 0 : i32
    %cond3A_531 = arith.cmpi ne, %convert_element_type3A_529, %cond3A_530 : i32
    scf.if %cond3A_531 {
      %dma_wait3A_546 = tpu.memref_slice %arg7[%add3A_521] : memref<1007616xf32, #tpu.memory_space<hbm>> -> memref<7872xf32, #tpu.memory_space<hbm>>
      %dma_wait3A_547 = tpu.memref_slice %arg7[%add3A_521] : memref<1007616xf32, #tpu.memory_space<hbm>> -> memref<7872xf32, #tpu.memory_space<hbm>>
      tpu.wait_dma2 semaphore(%arg19 : memref<!tpu.dma_semaphore, #tpu.memory_space<semaphore_mem>>) src(%arg12 : memref<7872xf32, #tpu.memory_space<vmem>>) dst(%dma_wait3A_547 : memref<7872xf32, #tpu.memory_space<hbm>>)
    } else {
    }
    %mul3A_532 = arith.constant 62976 : i32
    %mul3A_533 = arith.muli %arg1, %mul3A_532 : i32
    %add3A_534 = arith.constant 55104 : i32
    %add3A_535 = arith.addi %mul3A_533, %add3A_534 : i32
    %eq3A_536 = arith.constant 0 : i32
    %eq3A_537 = arith.cmpi eq, %arg0, %eq3A_536 : i32
    %convert_element_type3A_538 = arith.extui %eq3A_537 : i1 to i32
    %cond3A_539 = arith.constant 0 : i32
    %cond3A_540 = arith.cmpi ne, %convert_element_type3A_538, %cond3A_539 : i32
    scf.if %cond3A_540 {
      %dma_wait3A_546 = tpu.memref_slice %arg6[%add3A_535] : memref<1007616xf32, #tpu.memory_space<hbm>> -> memref<7872xf32, #tpu.memory_space<hbm>>
      %dma_wait3A_547 = tpu.memref_slice %arg6[%add3A_535] : memref<1007616xf32, #tpu.memory_space<hbm>> -> memref<7872xf32, #tpu.memory_space<hbm>>
      tpu.wait_dma2 semaphore(%arg19 : memref<!tpu.dma_semaphore, #tpu.memory_space<semaphore_mem>>) src(%arg13 : memref<7872xf32, #tpu.memory_space<vmem>>) dst(%dma_wait3A_547 : memref<7872xf32, #tpu.memory_space<hbm>>)
    } else {
    }
    %eq3A_541 = arith.constant 1 : i32
    %eq3A_542 = arith.cmpi eq, %arg0, %eq3A_541 : i32
    %convert_element_type3A_543 = arith.extui %eq3A_542 : i1 to i32
    %cond3A_544 = arith.constant 0 : i32
    %cond3A_545 = arith.cmpi ne, %convert_element_type3A_543, %cond3A_544 : i32
    scf.if %cond3A_545 {
      %dma_wait3A_546 = tpu.memref_slice %arg7[%add3A_535] : memref<1007616xf32, #tpu.memory_space<hbm>> -> memref<7872xf32, #tpu.memory_space<hbm>>
      %dma_wait3A_547 = tpu.memref_slice %arg7[%add3A_535] : memref<1007616xf32, #tpu.memory_space<hbm>> -> memref<7872xf32, #tpu.memory_space<hbm>>
      tpu.wait_dma2 semaphore(%arg19 : memref<!tpu.dma_semaphore, #tpu.memory_space<semaphore_mem>>) src(%arg13 : memref<7872xf32, #tpu.memory_space<vmem>>) dst(%dma_wait3A_547 : memref<7872xf32, #tpu.memory_space<hbm>>)
    } else {
    }
    return
  }
}

module attributes {stable_mosaic.version = 14 : i64} {
  func.func @_sp_body(%arg0: i32, %arg1: memref<3936x128xf32, #tpu.memory_space<vmem>>, %arg2: memref<3936x128xf32, #tpu.memory_space<vmem>>) attributes {dimension_semantics = [#tpu.dimension_semantics<arbitrary>], iteration_bounds = array<i64: 2>, scalar_prefetch = 0 : i64, scratch_operands = 0 : i64, tpu.core_type = #tpu.core_type<tc>, window_params = [{transform_indices = @transform_0, window_bounds = array<i64: 3936, 128>}, {transform_indices = @transform_1, window_bounds = array<i64: 3936, 128>}]} {
    %get3A = arith.constant 0 : index
    %get3A_0 = arith.constant 0 : index
    %get3A_1 = vector.load %arg1[%get3A, %get3A_0] : memref<3936x128xf32, #tpu.memory_space<vmem>>, vector<3936x128xf32>
    %max3A = arith.constant 0.000000e+00 : f32
    %max3A_2 = vector.broadcast %max3A : f32 to vector<3936x128xf32>
    %max3A_3 = arith.maximumf %get3A_1, %max3A_2 : vector<3936x128xf32>
    %abs3A = math.absf %get3A_1 : vector<3936x128xf32>
    %neg3A = arith.constant 0.000000e+00 : f32
    %neg3A_4 = vector.broadcast %neg3A : f32 to vector<3936x128xf32>
    %neg3A_5 = arith.subf %neg3A_4, %abs3A : vector<3936x128xf32>
    %exp3A = math.exp %neg3A_5 : vector<3936x128xf32>
    %log1p3A = math.log1p %exp3A : vector<3936x128xf32>
    %add3A = arith.addf %max3A_3, %log1p3A : vector<3936x128xf32>
    %swap3A = arith.constant 0 : index
    %swap3A_6 = arith.constant 0 : index
    %swap3A_7 = vector.load %arg2[%swap3A, %swap3A_6] : memref<3936x128xf32, #tpu.memory_space<vmem>>, vector<3936x128xf32>
    tpu.vector_store %arg2[%swap3A, %swap3A_6], %add3A {strides = array<i32>} : memref<3936x128xf32, #tpu.memory_space<vmem>>, vector<3936x128xf32>,
    return
  }
  func.func @transform_0(%arg0: i32) -> (i32, i32) {
    %c0_i32 = arith.constant 0 : i32
    %c0_i32_0 = arith.constant 0 : i32
    return %arg0, %c0_i32 : i32, i32
  }
  func.func @transform_1(%arg0: i32) -> (i32, i32) {
    %c0_i32 = arith.constant 0 : i32
    %c0_i32_0 = arith.constant 0 : i32
    return %arg0, %c0_i32 : i32, i32
  }
}

module attributes {stable_mosaic.version = 14 : i64} {
  func.func @_tc_body(%arg0: i32, %arg1: memref<3936x128xf32, #tpu.memory_space<vmem>>, %arg2: memref<3936x128xf32, #tpu.memory_space<vmem>>, %arg3: memref<3936x128xf32, #tpu.memory_space<vmem>>, %arg4: memref<8x128xf32, #tpu.memory_space<vmem>>, %arg5: memref<1x1xf32, #tpu.memory_space<smem>>, %arg6: memref<2xf32, #tpu.memory_space<smem>>) attributes {dimension_semantics = [#tpu.dimension_semantics<arbitrary>], iteration_bounds = array<i64: 2>, scalar_prefetch = 0 : i64, scratch_operands = 1 : i64, tpu.core_type = #tpu.core_type<tc>, window_params = [{transform_indices = @transform_0, window_bounds = array<i64: 3936, 128>}, {transform_indices = @transform_1, window_bounds = array<i64: 3936, 128>}, {transform_indices = @transform_2, window_bounds = array<i64: 3936, 128>}, {pipeline_mode = #tpu.pipeline_mode<synchronous>, transform_indices = @transform_3, window_bounds = array<i64: 8, 128>}, {transform_indices = @transform_4, window_bounds = array<i64: 1, 1>}]} {
    %eq3A = arith.constant 0 : i32
    %eq3A_0 = arith.cmpi eq, %arg0, %eq3A : i32
    %convert_element_type3A = arith.extui %eq3A_0 : i1 to i32
    %cond3A = arith.constant 0 : i32
    %cond3A_1 = arith.cmpi ne, %convert_element_type3A, %cond3A : i32
    scf.if %cond3A_1 {
      %swap3A_37 = arith.constant 0.000000e+00 : f32
      %swap3A_38 = arith.constant 0 : index
      %swap3A_39 = memref.load %arg6[%swap3A_38] : memref<2xf32, #tpu.memory_space<smem>>
      memref.store %swap3A_37, %arg6[%swap3A_38] : memref<2xf32, #tpu.memory_space<smem>>
      %swap3A_40 = arith.constant 0.000000e+00 : f32
      %swap3A_41 = arith.constant 1 : index
      %swap3A_42 = memref.load %arg6[%swap3A_41] : memref<2xf32, #tpu.memory_space<smem>>
      memref.store %swap3A_40, %arg6[%swap3A_41] : memref<2xf32, #tpu.memory_space<smem>>
    } else {
    }
    %get3A = arith.constant 0 : index
    %get3A_2 = arith.constant 0 : index
    %get3A_3 = vector.load %arg2[%get3A, %get3A_2] : memref<3936x128xf32, #tpu.memory_space<vmem>>, vector<3936x128xf32>
    %get3A_4 = arith.constant 0 : index
    %get3A_5 = arith.constant 0 : index
    %get3A_6 = vector.load %arg3[%get3A_4, %get3A_5] : memref<3936x128xf32, #tpu.memory_space<vmem>>, vector<3936x128xf32>
    %add3A = arith.addf %get3A_3, %get3A_6 : vector<3936x128xf32>
    %gt3A = arith.constant 0.000000e+00 : f32
    %gt3A_7 = vector.broadcast %gt3A : f32 to vector<3936x128xf32>
    %gt3A_8 = arith.cmpf ogt, %add3A, %gt3A_7 : vector<3936x128xf32>
    %get3A_9 = arith.constant 0 : index
    %get3A_10 = memref.load %arg6[%get3A_9] : memref<2xf32, #tpu.memory_space<smem>>
    %get3A_11 = arith.constant 0 : index
    %get3A_12 = arith.constant 0 : index
    %get3A_13 = vector.load %arg1[%get3A_11, %get3A_12] : memref<3936x128xf32, #tpu.memory_space<vmem>>, vector<3936x128xf32>
    %jit3A = arith.constant 0.000000e+00 : f32
    %broadcast_in_dim3A = vector.broadcast %jit3A : f32 to vector<3936x128xf32>
    %select_n3A = arith.select %gt3A_8, %get3A_13, %broadcast_in_dim3A : vector<3936x128xi1>, vector<3936x128xf32>
    %reduce_sum3A = vector.shape_cast %select_n3A : vector<3936x128xf32> to vector<1x3936x128xf32>
    %reduce_sum3A_14 = arith.constant dense<0.000000e+00> : vector<1xf32>
    %reduce_sum3A_15 = vector.multi_reduction <add>, %reduce_sum3A, %reduce_sum3A_14 [1, 2] : vector<1x3936x128xf32> to vector<1xf32>
    %reduce_sum3A_16 = vector.shape_cast %reduce_sum3A_15 : vector<1xf32> to vector<1x1x1xf32>
    %reduce_sum3A_17 = vector.extract %reduce_sum3A_16[0, 0, 0] : f32 from vector<1x1x1xf32>
    %add3A_18 = arith.addf %get3A_10, %reduce_sum3A_17 : f32
    %swap3A = arith.constant 0 : index
    %swap3A_19 = memref.load %arg6[%swap3A] : memref<2xf32, #tpu.memory_space<smem>>
    memref.store %add3A_18, %arg6[%swap3A] : memref<2xf32, #tpu.memory_space<smem>>
    %get3A_20 = arith.constant 1 : index
    %get3A_21 = memref.load %arg6[%get3A_20] : memref<2xf32, #tpu.memory_space<smem>>
    %convert_element_type3A_22 = arith.extui %gt3A_8 : vector<3936x128xi1> to vector<3936x128xi32>
    %convert_element_type3A_23 = arith.sitofp %convert_element_type3A_22 : vector<3936x128xi32> to vector<3936x128xf32>
    %reduce_sum3A_24 = vector.shape_cast %convert_element_type3A_23 : vector<3936x128xf32> to vector<1x3936x128xf32>
    %reduce_sum3A_25 = arith.constant dense<0.000000e+00> : vector<1xf32>
    %reduce_sum3A_26 = vector.multi_reduction <add>, %reduce_sum3A_24, %reduce_sum3A_25 [1, 2] : vector<1x3936x128xf32> to vector<1xf32>
    %reduce_sum3A_27 = vector.shape_cast %reduce_sum3A_26 : vector<1xf32> to vector<1x1x1xf32>
    %reduce_sum3A_28 = vector.extract %reduce_sum3A_27[0, 0, 0] : f32 from vector<1x1x1xf32>
    %add3A_29 = arith.addf %get3A_21, %reduce_sum3A_28 : f32
    %swap3A_30 = arith.constant 1 : index
    %swap3A_31 = memref.load %arg6[%swap3A_30] : memref<2xf32, #tpu.memory_space<smem>>
    memref.store %add3A_29, %arg6[%swap3A_30] : memref<2xf32, #tpu.memory_space<smem>>
    %eq3A_32 = arith.constant 1 : i32
    %eq3A_33 = arith.cmpi eq, %arg0, %eq3A_32 : i32
    %convert_element_type3A_34 = arith.extui %eq3A_33 : i1 to i32
    %cond3A_35 = arith.constant 0 : i32
    %cond3A_36 = arith.cmpi ne, %convert_element_type3A_34, %cond3A_35 : i32
    scf.if %cond3A_36 {
      %get3A_37 = arith.constant 0 : index
      %get3A_38 = arith.constant 0 : index
      %get3A_39 = vector.load %arg4[%get3A_37, %get3A_38] : memref<8x128xf32, #tpu.memory_space<vmem>>, vector<8x128xf32>
      %max3A = arith.constant 0.000000e+00 : f32
      %max3A_40 = vector.broadcast %max3A : f32 to vector<8x128xf32>
      %max3A_41 = arith.maximumf %get3A_39, %max3A_40 : vector<8x128xf32>
      %abs3A = math.absf %get3A_39 : vector<8x128xf32>
      %neg3A = arith.constant 0.000000e+00 : f32
      %neg3A_42 = vector.broadcast %neg3A : f32 to vector<8x128xf32>
      %neg3A_43 = arith.subf %neg3A_42, %abs3A : vector<8x128xf32>
      %exp3A = math.exp %neg3A_43 : vector<8x128xf32>
      %log1p3A = math.log1p %exp3A : vector<8x128xf32>
      %add3A_44 = arith.addf %max3A_41, %log1p3A : vector<8x128xf32>
      %sub3A = arith.subf %add3A_44, %get3A_39 : vector<8x128xf32>
      %reduce_sum3A_45 = vector.shape_cast %sub3A : vector<8x128xf32> to vector<1x8x128xf32>
      %reduce_sum3A_46 = arith.constant dense<0.000000e+00> : vector<1xf32>
      %reduce_sum3A_47 = vector.multi_reduction <add>, %reduce_sum3A_45, %reduce_sum3A_46 [1, 2] : vector<1x8x128xf32> to vector<1xf32>
      %reduce_sum3A_48 = vector.shape_cast %reduce_sum3A_47 : vector<1xf32> to vector<1x1x1xf32>
      %reduce_sum3A_49 = vector.extract %reduce_sum3A_48[0, 0, 0] : f32 from vector<1x1x1xf32>
      %div3A = arith.constant 1.024000e+03 : f32
      %div3A_50 = arith.divf %reduce_sum3A_49, %div3A : f32
      %reduce_sum3A_51 = vector.shape_cast %add3A_44 : vector<8x128xf32> to vector<1x8x128xf32>
      %reduce_sum3A_52 = arith.constant dense<0.000000e+00> : vector<1xf32>
      %reduce_sum3A_53 = vector.multi_reduction <add>, %reduce_sum3A_51, %reduce_sum3A_52 [1, 2] : vector<1x8x128xf32> to vector<1xf32>
      %reduce_sum3A_54 = vector.shape_cast %reduce_sum3A_53 : vector<1xf32> to vector<1x1x1xf32>
      %reduce_sum3A_55 = vector.extract %reduce_sum3A_54[0, 0, 0] : f32 from vector<1x1x1xf32>
      %div3A_56 = arith.constant 1.024000e+03 : f32
      %div3A_57 = arith.divf %reduce_sum3A_55, %div3A_56 : f32
      %get3A_58 = arith.constant 0 : index
      %get3A_59 = memref.load %arg6[%get3A_58] : memref<2xf32, #tpu.memory_space<smem>>
      %get3A_60 = arith.constant 1 : index
      %get3A_61 = memref.load %arg6[%get3A_60] : memref<2xf32, #tpu.memory_space<smem>>
      %div3A_62 = arith.divf %get3A_59, %get3A_61 : f32
      %mul3A = arith.constant 2.500000e-01 : f32
      %mul3A_63 = arith.mulf %mul3A, %div3A_57 : f32
      %sub3A_64 = arith.subf %div3A_62, %mul3A_63 : f32
      %max3A_65 = arith.constant 0.000000e+00 : f32
      %max3A_66 = arith.maximumf %sub3A_64, %max3A_65 : f32
      %mul3A_67 = arith.constant 2.500000e-01 : f32
      %mul3A_68 = arith.mulf %mul3A_67, %div3A_50 : f32
      %add3A_69 = arith.addf %mul3A_68, %max3A_66 : f32
      %swap3A_70 = arith.constant 0 : index
      %swap3A_71 = arith.constant 0 : index
      %swap3A_72 = memref.load %arg5[%swap3A_70, %swap3A_71] : memref<1x1xf32, #tpu.memory_space<smem>>
      memref.store %add3A_69, %arg5[%swap3A_70, %swap3A_71] : memref<1x1xf32, #tpu.memory_space<smem>>
    } else {
    }
    return
  }
  func.func @transform_0(%arg0: i32) -> (i32, i32) {
    %c0_i32 = arith.constant 0 : i32
    %c0_i32_0 = arith.constant 0 : i32
    return %arg0, %c0_i32 : i32, i32
  }
  func.func @transform_1(%arg0: i32) -> (i32, i32) {
    %c0_i32 = arith.constant 0 : i32
    %c0_i32_0 = arith.constant 0 : i32
    return %arg0, %c0_i32 : i32, i32
  }
  func.func @transform_2(%arg0: i32) -> (i32, i32) {
    %c0_i32 = arith.constant 0 : i32
    %c0_i32_0 = arith.constant 0 : i32
    return %arg0, %c0_i32 : i32, i32
  }
  func.func @transform_3(%arg0: i32) -> (i32, i32) {
    %c0_i32 = arith.constant 0 : i32
    %c0_i32_0 = arith.constant 0 : i32
    %c0_i32_1 = arith.constant 0 : i32
    return %c0_i32, %c0_i32_0 : i32, i32
  }
  func.func @transform_4(%arg0: i32) -> (i32, i32) {
    %c0_i32 = arith.constant 0 : i32
    %c0_i32_0 = arith.constant 0 : i32
    %c0_i32_1 = arith.constant 0 : i32
    return %c0_i32, %c0_i32_0 : i32, i32
  }
}

</mosaic_0001>

<sc_bundles>
// kernel: kernel.5.cloned.1.call-start
scs
__scs_entry_jumppad:
0x0: {  	(pc) =	sbr.rel $0x88, $3  }
0x1: {  	(tag) =	ssettag $0x0;
	lr =	simm.s32 $0x1  }
0x2: {  	[smem:$0x3F9E] =	sst lr;
	_ =	strace $0xD0000000  }
0x3: {  	_ = 	snop  }
0x4: {  	_ = 	snop  }
0x5: {  	_ = 	snop  }
0x6: {  	_ = 	snop  }
0x7: {  	_ = 	snop  }
__scs_overlays_trampoline_lowered:
0x8: {  	[smem:$0x3FAD] =	sst s0  }
0x9: {  	[smem:$0x3FAE] =	sst s1  }
0xa: {  	[smem:$0x3FAF] =	sst s2  }
0xb: {  	[smem:$0x3FB0] =	sst s3  }
0xc: {  	[smem:$0x3FB1] =	sst s4  }
0xd: {  	[smem:$0x3FB2] =	sst s5  }
0xe: {  	[smem:$0x3FB3] =	sst s6  }
0xf: {  	[smem:$0x3FB4] =	sst s7  }
0x10: {  	[smem:$0x3FB5] =	sst s8  }
0x11: {  	[smem:$0x3FB6] =	sst s9;
	s0 =	simm.s32 @!p0 $0x0  }
0x12: {  	s1 =	sld [smem:$0x3F9C];
	s0 =	simm.s32 @p0 $0x1  }
0x13: {  	[smem:$0x3FB7] =	sst s0;
	s0 =	simm.s32 @!p1 $0x0  }
0x14: {  	s2 =	sld [smem:$0x3F9B];
	s0 =	simm.s32 @p1 $0x1  }
0x15: {  	[smem:$0x3FB8] =	sst s0;
	s0 =	simm.s32 @!p2 $0x0  }
0x16: {  	s3 =	sld [smem:$0x3FDB];
	s0 =	simm.s32 @p2 $0x1  }
0x17: {  	s4 =	simm.s32 $0x1BF5;
	[smem:$0x3FBA] =	sst s0  }
0x18: {  	s0 =	sld [smem:$0x3F9D];
	_ =	swait.ge [sflag:s4], $0x0  }
0x19: {  	s7 =	sld [smem:$0x3F9E]  }
0x1a: {  	s8 =	sadd.s32 $0xFFFFE003, lr  }
0x1b: {  	s9 =	sadd.s32 $0xFFFFFEF7, lr;
	s5 =	simm.s32 $0xFFFFFFFF;
	p2 =	slt.u32 s8, $0xFFFFF086  }
0x1c: {  	p1 =	slt.u32 s9, $0xF7A;
	s5 =	simm.s32 @!p2 $0x0  }
0x1d: {  	s5 =	simm.s32 @p1 $0x1;
	p0 =	seq.s32 s7, s2  }
0x1e: {  	s7 =	smul.u32 @!p0 $0xF7A, s2;
	p2 =	seq.s32 @!p0 s5, $0x0  }
0x1f: {  	s9 =	smul.u32 $0xF7A, s1;
	s8 =	simm.s32 @!p0 $0x1BF5;
	p2 =	por !p2, p0  }
0x20: {  	[sflag:s8] =	ssyncset.s32 @!p0 $0xFFFFF086;
	s6 =	sadd.s32 @!p0 s3, s7;
	s7 =	simm.s32 @!p0 $0x108  }
0x21: {  	s3 =	sadd.s32 s3, s9;
	s6 =	sadd.s32 @!p0 $0x88, s6;
	s7 =	simm.s32 @p2 $0x1082  }
0x22: {  	[simem:s7], [sflag:s8] =	dma.local @!p0 [hbm:s6], $0xF7A  }
0x23: {  	s9 =	sor.u32 $0xD0000000, s2;
	s6 =	simm.s32 $0x108;
	_ =	swait.ge @!p0 [sflag:s8], $0x0  }
0x24: {  	s3 =	sadd.s32 $0x88, s3;
	s6 =	simm.s32 @!p1 $0x1082;
	[sflag:s4] =	ssyncset.s32 $0xFFFFF086  }
0x25: {  	[simem:s6], [sflag:s4] =	dma.local [hbm:s3], $0xF7A  }
0x26: {  	[smem:$0x3F9E] =	sst s1;
	(tag) =	ssettag s2;
	_ =	strace s9  }
0x27: {  	s1 =	sld [smem:$0x3FAE]  }
0x28: {  	s2 =	sld [smem:$0x3FAF]  }
0x29: {  	s4 =	sld [smem:$0x3FB1]  }
0x2a: {  	p0 =	seq.s32 s5, $0x0;
	s5 =	sld [smem:$0x3FB2]  }
0x2b: {  	s6 =	sld [smem:$0x3FB3]  }
0x2c: {  	s7 =	sld [smem:$0x3FB4]  }
0x2d: {  	s3 =	simm.s32 $0x108;
	s8 =	sld [smem:$0x3FB5]  }
0x2e: {  	s3 =	simm.s32 @!p0 $0x1082;
	s9 =	sld [smem:$0x3FB6]  }
0x2f: {  	lr =	sadd.s32 s0, s3;
	s0 =	sld [smem:$0x3FAD]  }
0x30: {  	s3 =	sld [smem:$0x3FB0]  }
0x31: {  	[smem:$0x3FB9] =	sst s10  }
0x32: {  	s10 =	sld [smem:$0x3FB7];
	_ =	sdelay $0x3  }
0x33: {  	p0 =	seq.s32 s10, $0x1;
	s10 =	sld [smem:$0x3FB9];
	_ =	sdelay $0x3  }
0x34: {  	[smem:$0x3FB9] =	sst s10  }
0x35: {  	s10 =	sld [smem:$0x3FB8];
	_ =	sdelay $0x3  }
0x36: {  	p1 =	seq.s32 s10, $0x1;
	s10 =	sld [smem:$0x3FB9];
	_ =	sdelay $0x3  }
0x37: {  	[smem:$0x3FB9] =	sst s10  }
0x38: {  	s10 =	sld [smem:$0x3FBA]  }
0x39: {  	_ = 	snop;
	(pc) =	sbr.ind lr, $3  }
0x3a: {  	_ = 	snop  }
0x3b: {  	_ = 	snop  }
0x3c: {  	p2 =	seq.s32 s10, $0x1;
	s10 =	sld [smem:$0x3FB9]  }
0x3d: {  	_ =	shalt  }
0x3e: {  	_ =	shalt  }
0x3f: {  	_ =	shalt  }
0x40: {  	_ =	shalt  }
0x41: {  	_ =	shalt  }
0x42: {  	_ =	shalt  }
0x43: {  	_ =	shalt  }
0x44: {  	_ =	shalt  }
0x45: {  	_ =	shalt  }
0x46: {  	_ =	shalt  }
0x47: {  	_ =	shalt  }
0x48: {  	_ =	shalt  }
0x49: {  	_ =	shalt  }
0x4a: {  	_ =	shalt  }
0x4b: {  	_ =	shalt  }
0x4c: {  	_ =	shalt  }
0x4d: {  	_ =	shalt  }
0x4e: {  	_ =	shalt  }
0x4f: {  	_ =	shalt  }
0x50: {  	_ =	shalt  }
0x51: {  	_ =	shalt  }
0x52: {  	_ =	shalt  }
0x53: {  	_ =	shalt  }
0x54: {  	_ =	shalt  }
0x55: {  	_ =	shalt  }
0x56: {  	_ =	shalt  }
0x57: {  	_ =	shalt  }
0x58: {  	_ =	shalt  }
0x59: {  	_ =	shalt  }
0x5a: {  	_ =	shalt  }
0x5b: {  	_ =	shalt  }
0x5c: {  	_ =	shalt  }
0x5d: {  	_ =	shalt  }
0x5e: {  	_ =	shalt  }
0x5f: {  	_ =	shalt  }
0x60: {  	_ =	shalt  }
0x61: {  	_ =	shalt  }
0x62: {  	_ =	shalt  }
0x63: {  	_ =	shalt  }
0x64: {  	_ =	shalt  }
0x65: {  	_ =	shalt  }
0x66: {  	_ =	shalt  }
0x67: {  	_ =	shalt  }
0x68: {  	_ =	shalt  }
0x69: {  	_ =	shalt  }
0x6a: {  	_ =	shalt  }
0x6b: {  	_ =	shalt  }
0x6c: {  	_ =	shalt  }
0x6d: {  	_ =	shalt  }
0x6e: {  	_ =	shalt  }
0x6f: {  	_ =	shalt  }
0x70: {  	_ =	shalt  }
0x71: {  	_ =	shalt  }
0x72: {  	_ =	shalt  }
0x73: {  	_ =	shalt  }
0x74: {  	_ =	shalt  }
0x75: {  	_ =	shalt  }
0x76: {  	_ =	shalt  }
0x77: {  	_ =	shalt  }
0x78: {  	_ =	shalt  }
0x79: {  	_ =	shalt  }
0x7a: {  	_ =	shalt  }
0x7b: {  	_ =	shalt  }
0x7c: {  	_ =	shalt  }
0x7d: {  	_ =	shalt  }
0x7e: {  	_ =	shalt  }
0x7f: {  	_ =	shalt  }
0x80: {  	_ =	shalt  }
0x81: {  	_ =	shalt  }
0x82: {  	_ =	shalt  }
0x83: {  	_ =	shalt  }
0x84: {  	_ =	shalt  }
0x85: {  	_ =	shalt  }
0x86: {  	_ =	shalt  }
0x87: {  	_ =	shalt  }
.Lfunc_end0:
.L_simem_size_0:
called_computation_lowered:
.L_overlay_start_0:
0x88: {  	s2 =	sld [smem:$0x3FD9]  }
0x89: {  	s3 =	sld [smem:$0x3FFE];
	_ =	sdelay $0x1  }
0x8a: {  	s1 =	srdreg.scid  }
0x8b: {  	s0 =	sand.u32 $0x1, s1  }
0x8c: {  	s17 =	sshll.u32 s0, $0xA;
	s2 =	sadd.s32 s3, s2  }
0x8d: {  	s2 =	sadd.s32 s2, s17  }
0x8e: {  	[smem:$0x3FC5] =	sst s2  }
0x8f: {  	_ = 	snop  }
0x90: {  	s2 =	sld [smem:$0x3FC9]  }
0x91: {  	s18 =	sld [smem:$0x3FC8]  }
0x92: {  	s4 =	sld [smem:$0x3FC7];
	(tm) =	ssettm $0x1  }
0x93: {  	s5 =	sld [smem:$0x3FFB];
	_ =	sdelay $0x3  }
0x94: {  	_ =	strace s5  }
0x95: {  	s5 =	sld [smem:$0x3FFC];
	_ =	sdelay $0x3  }
0x96: {  	_ =	strace s5  }
0x97: {  	s5 =	sld [smem:$0x3FFD];
	_ =	sdelay $0x3  }
0x98: {  	_ =	strace s5  }
0x99: {  	_ =	strace $0x8FFFFFFF  }
0x9a: {  	s19 =	sld [smem:$0x3FDB];
	_ =	sdelay $0x1  }
0x9b: {  	s6 =	simm.s32 $_scs_section_size  }
0x9c: {  	s7 =	simm.s32 $_size__tile_overlayer_lowered;
	s8 =	simm.s32 $_tile_overlayer_lowered  }
0x9d: {  	s22 =	simm.s32 $0x1BFF;
	s21 =	sshll.u32 s8, $0x1;
	s5 =	sadd.s32 s6, s19  }
0x9e: {  	s9 =	simm.s32 $0x0;
	s20 =	sshll.u32 s7, $0x1;
	s7 =	sadd.s32 s21, s5  }
0x9f: {  	[timem:s9], [sflag:s22] =	dma.local [hbm:s7], s20  }
0xa0: {  	_ =	swait.ge [sflag:s22], s20  }
0xa1: {  	s6 =	ssub.s32 $0x0, s20;
	[sflag:s22] =	ssyncset.done $0x0  }
0xa2: {  	[sflag:s22] =	ssyncadd.s32 s6;
	_ =	sdelay $0x1  }
0xa3: {  	s23 =	simm.s32 $0x1B8B  }
0xa4: {  	_ =	swait.ge [sflag:s23], $0x1  }
0xa5: {  	[sflag:s23] =	ssyncset.done $0x0  }
0xa6: {  	s25 =	simm.s32 $0x1B8E;
	s24 =	sld [smem:$0x3FFE];
	[sflag:s23] =	ssyncadd.s32 $0xFFFFFFFF  }
0xa7: {  	s26 =	simm.s32 $execute0_lowered;
	[smem:$0x3FD2] =	sst s25  }
0xa8: {  	s7 =	sshll.u32 s26, $0x1;
	_ =	strace $0x80000046;
	[dreg:$0x1] =	wrdreg $0xFFFFFFFF  }
0xa9: {  	s28 =	simm.s32 $_size_execute0_lowered;
	s5 =	sadd.s32 s5, s7;
	[dreg:$0x0] =	wrdreg $0x0  }
0xaa: {  	s7 =	sshll.u32 s28, $0x1;
	[dreg:$0x2] =	wrdreg s5  }
0xab: {  	[dreg:$0x3] =	wrdreg s7  }
0xac: {  	[dreg:$0x4] =	wrdreg $0xC0  }
0xad: {  	_ =	task [dreg:s9], $0x5FFFF  }
0xae: {  	[dreg:$0x1] =	wrdreg $0xFFFFFFFF  }
0xaf: {  	[dreg:$0x0] =	wrdreg $0x60  }
0xb0: {  	[dreg:$0x2] =	wrdreg s18  }
0xb1: {  	[dreg:$0x3] =	wrdreg s4  }
0xb2: {  	[dreg:$0x4] =	wrdreg s2  }
0xb3: {  	[dreg:$0x5] =	wrdreg s24  }
0xb4: {  	[dreg:$0x6] =	wrdreg $0xC8000  }
0xb5: {  	[dreg:$0x7] =	wrdreg $0x9  }
0xb6: {  	_ =	task.clear_ibuf [dreg:s9], $0x8FFFF;
	_ =	strace $0x90000046  }
0xb7: {  	s29 =	simm.s32 $0x9;
	_ =	strace $0x80000048  }
0xb8: {  	_ =	swait.ge [sflag:s29], $0x1  }
0xb9: {  	[sflag:s29] =	ssyncadd.s32 $0xFFFFFFFF  }
0xba: {  	_ =	strace $0x90000048  }
0xbb: {  	_ =	sfence  }
0xbc: {  	s30 =	sld [smem:$0x0];
	_ =	sdelay $0x2  }
0xbd: {  	s31 =	sshll.u32 s1, $0xD;
	s1 =	sshrl.u32 s1, $0x2  }
0xbe: {  	s3 =	sand.u32 $0x4000, s31;
	s1 =	sadd.s32 s1, s30  }
0xbf: {  	s0 =	sor.u32 s3, s0;
	s1 =	sshll.u32 s1, $0x11  }
0xc0: {  	s0 =	sor.u32 s1, s0  }
0xc1: {  	s0 =	sadd.s32 $0x8F2B, s0  }
0xc2: {  	[sflag:s0] =	ssyncadd.remote.s32 $0x1  }
0xc3: {  	_ =	sfence.sel $0xFFFF  }
0xc4: {  	[dreg:$0x0] =	wrdreg $0xFFFFFFFF;
	(pc) =	sbr.abs _section_cstart, $3  }
0xc5: {  	[dreg:$0x1] =	wrdreg $0xFFFFFFFF  }
0xc6: {  	_ =	task.clear_ibuf [dreg:s9], $0x2FFFF;
	_ =	strace $0x9FFFFFFF  }
0xc7: {  	(tm) =	ssettm $0x7FFFFFFF  }
tec
execute0_lowered:
.L_overlay_start_1:
0x0: {  	(tag) =	ssettag $0x1  }
0x1: {  	s0 =	rddreg [dreg:$0x0]  }
0x2: {  	s1 =	rddreg [dreg:$0x1];
	s2 =	srdreg.scid  }
0x3: {  	s25 =	stileid.u32;
	s5 =	rddreg [dreg:$0x3];
	s3 =	simm.s32 $0x0  }
0x4: {  	s31 =	simm.s32 $0x80;
	s4 =	sand.u32 $0x1, s2;
	s2 =	rddreg [dreg:$0x4]  }
0x5: {  	s23 =	sshll.u32 s25, $0x1;
	s10 =	smul.u32 $0xF600, s25;
	[smem:$0x7FF] =	sst s3  }
0x6: {  	s14 =	sshll.u32 s25, $0x3;
	s26 =	sshll.u32 s25, $0x4;
	s6 =	sor.u32 s4, s23  }
0x7: {  	s7 =	ssub.s32 $0x2, s4;
	s14 =	sand.u32 $0x70, s14;
	p0 =	seq.s32 s4, $0x0  }
0x8: {  	s8 =	smul.u32 $0x30C0, s6;
	s9 =	sshrl.u32 s7, $0x1;
	s11 =	sshll.u32 s6, $0x2  }
0x9: {  	s12 =	sadd.s32 $0x5C40, s10;
	s13 =	sadd.s32 $0x7B00, s10;
	s22 =	sadd.s32 $0x99C0, s10  }
0xa: {  	s15 =	smul.u32 $0x18600, s6;
	s23 =	sadd.s32 $0xB880, s10;
	s14 =	sadd.s32 s1, s14  }
0xb: {  	s6 =	sshll.u32 s6, $0x5;
	s1 =	sadd.s32 s1, s26;
	s7 =	ssub.s32 s7, s9  }
0xc: {  	s9 =	sadd.s32 $0x3D80, s10;
	s16 =	sand.u32 $0xC, s11;
	[dreg:$0x8] =	wrdreg s1  }
0xd: {  	s1 =	simm.s32 $0x1400;
	s20 =	sshrl.u32 s12, $0x3;
	s17 =	sshrl.u32 s13, $0x3  }
0xe: {  	s18 =	sshrl.u32 s22, $0x3;
	s22 =	sadd.s32 s22, s2;
	s8 =	sadd.s32 s0, s8  }
0xf: {  	s14 =	sadd.s32 s16, s14;
	s24 =	sshrl.u32 s15, $0x3;
	s15 =	sshrl.u32 s10, $0x3  }
0x10: {  	s1 =	simm.s32 @!p0 $0x20000;
	s19 =	sshrl.u32 s9, $0x3;
	p0 =	slt.u32 s25, $0xA  }
0x11: {  	s30 =	smax.u32 s7, $0x1;
	s7 =	simm.s32 $0x1;
	[dreg:$0x6] =	wrdreg s8  }
0x12: {  	s8 =	sadd.s32 $0x1EC0, s10;
	[dreg:$0x7] =	wrdreg s14;
	s14 =	sadd.s32 s0, s24  }
0x13: {  	s0 =	sadd.s32 s6, s0;
	s1 =	sadd.s32 s1, s5;
	p1 =	sgt.u32 @p0 s25, $0x7  }
0x14: {  	s16 =	sshrl.u32 s8, $0x3;
	s4 =	sadd.s32 s1, s15;
	s24 =	sadd.s32 s1, s19  }
0x15: {  	s26 =	sadd.s32 s1, s20;
	s6 =	sadd.s32 s1, s17;
	s15 =	sadd.s32 s1, s18  }
0x16: {  	s17 =	sadd.s32 s10, s2;
	s18 =	sadd.s32 s8, s2;
	s19 =	sadd.s32 s9, s2  }
0x17: {  	s20 =	sadd.s32 s12, s2;
	s28 =	sadd.s32 $0x2080, s14;
	[dreg:$0x9] =	wrdreg s4  }
0x18: {  	s29 =	sadd.s32 $0x61800, s0;
	p1 =	por p1, !p0;
	[dreg:$0xb] =	wrdreg s24  }
0x19: {  	s8 =	simm.s32 $0x100;
	s0 =	simm.s32 $0x8880;
	[dreg:$0xc] =	wrdreg s26  }
0x1a: {  	s9 =	simm.s32 $0x2;
	s12 =	simm.s32 $0xA780;
	[dreg:$0xd] =	wrdreg s6  }
0x1b: {  	s21 =	sadd.s32 s1, s16;
	[dreg:$0xe] =	wrdreg s15;
	s16 =	sadd.s32 $0xD740, s10  }
0x1c: {  	s26 =	sadd.s32 s11, s5;
	s5 =	sadd.s32 $0x1000, s5;
	s4 =	simm.s32 $0x3  }
0x1d: {  	s10 =	simm.s32 $0x8800;
	s11 =	simm.s32 $0x4;
	[dreg:$0xa] =	wrdreg s21  }
0x1e: {  	s21 =	sshrl.u32 s23, $0x3;
	s24 =	sshrl.u32 s16, $0x3;
	s23 =	sadd.s32 s23, s2  }
0x1f: {  	s6 =	sadd.s32 s1, s21;
	s1 =	sadd.s32 s1, s24;
	s21 =	sadd.s32 s13, s2  }
0x20: {  	s24 =	sadd.s32 s16, s2;
	s13 =	simm.s32 $0x0;
	[dreg:$0xf] =	wrdreg s6  }
0x21: {  	[dreg:$0x10] =	wrdreg s1;
	s1 =	sadd.s32 $0x3EC00, s26;
	s26 =	sadd.s32 $0x1040, s14  }
0x22: {  	s6 =	simm.s32 $0xC700;
	_ =	strace $0x80000047;
	[dreg:$0x11] =	wrdreg s5  }
0x23: {  	v0 =	vimm.f32 $1.000000000e+00;
	[dreg:$0x12] =	wrdreg s1;
	s1 =	simm.s32 $0x5;
	s5 =	simm.s32 $0xC680  }
.LBB2_1:
0x24: {  	s14 =	rddreg [dreg:$0x6]  }
0x25: {  	[tilespmem:s3], [sflag:$0x2] =	stream.strided.gather [hbm4b:s14+s31], $0x4100, s8, s31, $0x38;
	[tilespmem:$0x1BE00] =	vst v63  }
0x26: {  	[tilespmem:$0x8800] =	vst v0  }
0x27: {  	[tilespmem:$0x8810] =	vst v0  }
0x28: {  	[tilespmem:$0x8820] =	vst v0  }
0x29: {  	[tilespmem:$0x8830] =	vst v0  }
0x2a: {  	[tilespmem:$0x8840] =	vst v0  }
0x2b: {  	[tilespmem:$0x8850] =	vst v0  }
0x2c: {  	[tilespmem:$0x8860] =	vst v0  }
0x2d: {  	s15 =	rddreg [dreg:$0x11];
	[tilespmem:$0x8870] =	vst v0  }
0x2e: {  	[tilespmem:s0], [sflag:$0x5] =	stream.linear.gather [hbm4b:s15+s3], $0x1F00, $0x38;
	[tilespmem:$0x1BE00] =	vst v63  }
0x2f: {  	_ =	swait.ge [sflag:s1], $0x1F00  }
0x30: {  	[sflag:s1] =	ssyncset.done $0x0  }
0x31: {  	[sflag:s1] =	ssyncadd.s32 $0xFFFFE100  }
0x32: {  	[spmem:s17] =	stream.linear.scatter [tilespmem:s0], [sflag:$0x3], $0x1EC0, $0x38;
	[tilespmem:$0x1BE00] =	vst v63  }
0x33: {  	_ = 	snop  }
0x34: {  	[spmem:s18] =	stream.linear.scatter [tilespmem:s0], [sflag:$0x3], $0x1EC0, $0x38;
	[tilespmem:$0x1BE00] =	vst v63  }
0x35: {  	_ = 	snop  }
0x36: {  	[spmem:s19] =	stream.linear.scatter [tilespmem:s0], [sflag:$0x3], $0x1EC0, $0x38;
	[tilespmem:$0x1BE00] =	vst v63  }
0x37: {  	_ = 	snop  }
0x38: {  	[spmem:s20] =	stream.linear.scatter [tilespmem:s0], [sflag:$0x3], $0x1EC0, $0x38;
	[tilespmem:$0x1BE00] =	vst v63  }
0x39: {  	_ = 	snop  }
0x3a: {  	[spmem:s21] =	stream.linear.scatter [tilespmem:s0], [sflag:$0x3], $0x1EC0, $0x38;
	[tilespmem:$0x1BE00] =	vst v63  }
0x3b: {  	_ = 	snop  }
0x3c: {  	[spmem:s22] =	stream.linear.scatter [tilespmem:s0], [sflag:$0x3], $0x1EC0, $0x38;
	[tilespmem:$0x1BE00] =	vst v63  }
0x3d: {  	_ = 	snop  }
0x3e: {  	[spmem:s23] =	stream.linear.scatter [tilespmem:s0], [sflag:$0x3], $0x1EC0, $0x38;
	[tilespmem:$0x1BE00] =	vst v63  }
0x3f: {  	_ = 	snop  }
0x40: {  	[spmem:s24] =	stream.linear.scatter [tilespmem:s0], [sflag:$0x3], $0x1EC0, $0x38;
	[tilespmem:$0x1BE00] =	vst v63  }
0x41: {  	_ =	swait.ge [sflag:s4], $0x1EC0  }
0x42: {  	[sflag:s4] =	ssyncset.done $0x0  }
0x43: {  	[sflag:s4] =	ssyncadd.s32 $0xFFFFE140  }
0x44: {  	_ =	swait.ge [sflag:s4], $0x1EC0  }
0x45: {  	[sflag:s4] =	ssyncset.done $0x0  }
0x46: {  	[sflag:s4] =	ssyncadd.s32 $0xFFFFE140  }
0x47: {  	_ =	swait.ge [sflag:s4], $0x1EC0  }
0x48: {  	[sflag:s4] =	ssyncset.done $0x0  }
0x49: {  	[sflag:s4] =	ssyncadd.s32 $0xFFFFE140  }
0x4a: {  	_ =	swait.ge [sflag:s4], $0x1EC0  }
0x4b: {  	[sflag:s4] =	ssyncset.done $0x0  }
0x4c: {  	[sflag:s4] =	ssyncadd.s32 $0xFFFFE140  }
0x4d: {  	_ =	swait.ge [sflag:s4], $0x1EC0  }
0x4e: {  	[sflag:s4] =	ssyncset.done $0x0  }
0x4f: {  	[sflag:s4] =	ssyncadd.s32 $0xFFFFE140  }
0x50: {  	_ =	swait.ge [sflag:s4], $0x1EC0  }
0x51: {  	[sflag:s4] =	ssyncset.done $0x0  }
0x52: {  	[sflag:s4] =	ssyncadd.s32 $0xFFFFE140  }
0x53: {  	_ =	swait.ge [sflag:s4], $0x1EC0  }
0x54: {  	[sflag:s4] =	ssyncset.done $0x0  }
0x55: {  	[sflag:s4] =	ssyncadd.s32 $0xFFFFE140  }
0x56: {  	_ =	swait.ge [sflag:s4], $0x1EC0  }
0x57: {  	[sflag:s4] =	ssyncset.done $0x0  }
0x58: {  	s16 =	rddreg [dreg:$0x7];
	[sflag:s4] =	ssyncadd.s32 $0xFFFFE140  }
0x59: {  	[tilespmem:s5], [sflag:$0x5] =	stream.linear.gather [hbm4b:s16+s3], $0x20, $0x38;
	[tilespmem:$0x1BE00] =	vst v63  }
0x5a: {  	_ =	swait.ge [sflag:s1], $0x20  }
0x5b: {  	[sflag:s1] =	ssyncset.done $0x0  }
0x5c: {  	[sflag:s1] =	ssyncadd.s32 $0xFFFFFFE0  }
0x5d: {  	s15 =	simm.s32 $0x20;
	s25 =	rddreg [dreg:$0x2]  }
0x5e: {  	[tilespmem:s6], [sflag:$0x1] =	stream.indirect.gather [hbm4b:s25+s15], $0x1, s5, s15, $0xb8;
	[tilespmem:$0x1BE00] =	vst v63  }
0x5f: {  	_ =	swait.ge [sflag:s7], $0x20  }
0x60: {  	[sflag:s7] =	ssyncset.done $0x0  }
0x61: {  	s16 =	rddreg [dreg:$0x12];
	[sflag:s7] =	ssyncadd.s32 $0xFFFFFFE0  }
0x62: {  	[hbm4b:s16+s3] =	stream.linear.scatter [tilespmem:s6], [sflag:$0x5], $0x20, $0x38;
	[tilespmem:$0x1BE00] =	vst v63  }
0x63: {  	_ =	swait.ge [sflag:s1], $0x20  }
0x64: {  	[sflag:s1] =	ssyncset.done $0x0  }
0x65: {  	[sflag:s1] =	ssyncadd.s32 $0xFFFFFFE0  }
0x66: {  	[bflag:$0x0] =	sbarrier.arrive $0xFFFF  }
0x67: {  	_ =	swait.ge [sflag:s9], $0x4100  }
0x68: {  	[sflag:s9] =	ssyncset.done $0x0  }
0x69: {  	s14 =	simm.s32 $0x0;
	s25 =	simm.s32 $0x4400;
	[sflag:s9] =	ssyncadd.s32 $0xFFFFBF00  }
0x6a: {  	[tilespmem:s25], [sflag:$0x2] =	stream.strided.gather [hbm4b:s26+s31], $0x4100, s8, s31, $0x38;
	[tilespmem:$0x1BE00] =	vst v63  }
.LBB2_2:
0x6b: {  	p2 =	sne.s32 s14, $0x10200  }
.Ltmp0:
0x6c: {  	_ = 	snop;
	(pc) =	sbr.rel @p2 .LBB2_2-.Ltmp0, $3  }
0x6d: {  	_ =	sdelay $0x1  }
0x6e: {  	s15 =	sshra.s32 s14, $0x2;
	s14 =	sadd.s32 $0x200, s14  }
0x6f: {  	[spmem:s2] =	stream.indirect.scatter.add.f32 [tilespmem:s10], [sflag:$0x4], $0x1, s15, s31, $0xb8;
	[tilespmem:$0x1BE00] =	vst v63  }
0x70: {  	_ =	swait.ge [sflag:s11], $0x80  }
0x71: {  	s14 =	simm.s32 $0x81;
	[sflag:s11] =	ssyncset.done $0x0  }
.LBB2_4:
0x72: {  	p2 =	sne.s32 s14, $0x1;
	s14 =	sadd.s32 $0xFFFFFFFF, s14;
	[sflag:s11] =	ssyncadd.s32 $0xFFFFFF80  }
.Ltmp1:
0x73: {  	(pc) =	sbr.rel @p2 .LBB2_4-.Ltmp1, $3  }
0x74: {  	_ =	sdelay $0x1  }
0x75: {  	_ =	swait.ge [sflag:s11], $0x80  }
0x76: {  	[sflag:s11] =	ssyncset.done $0x0  }
0x77: {  	[sflag:s11] =	ssyncadd.s32 $0xFFFFFF80  }
0x78: {  	_ =	swait.ge [sflag:s9], $0x4100  }
0x79: {  	[sflag:s9] =	ssyncset.done $0x0  }
0x7a: {  	s14 =	simm.s32 $0x0;
	[sflag:s9] =	ssyncadd.s32 $0xFFFFBF00  }
0x7b: {  	[tilespmem:s14], [sflag:$0x2] =	stream.strided.gather [hbm4b:s28+s31], $0x4100, s8, s31, $0x38;
	[tilespmem:$0x1BE00] =	vst v63  }
.LBB2_6:
0x7c: {  	p2 =	sne.s32 s14, $0x10200  }
.Ltmp2:
0x7d: {  	_ = 	snop;
	(pc) =	sbr.rel @p2 .LBB2_6-.Ltmp2, $4  }
0x7e: {  	_ = 	snop  }
0x7f: {  	s15 =	sshra.s32 s14, $0x2  }
0x80: {  	s14 =	sadd.s32 $0x200, s14;
	s15 =	sadd.s32 $0x4400, s15  }
0x81: {  	[spmem:s2] =	stream.indirect.scatter.add.f32 [tilespmem:s10], [sflag:$0x4], $0x1, s15, s31, $0xb8;
	[tilespmem:$0x1BE00] =	vst v63  }
0x82: {  	_ =	swait.ge [sflag:s11], $0x80  }
0x83: {  	s14 =	simm.s32 $0x81;
	[sflag:s11] =	ssyncset.done $0x0  }
.LBB2_8:
0x84: {  	p2 =	sne.s32 s14, $0x1;
	s14 =	sadd.s32 $0xFFFFFFFF, s14;
	[sflag:s11] =	ssyncadd.s32 $0xFFFFFF80  }
.Ltmp3:
0x85: {  	(pc) =	sbr.rel @p2 .LBB2_8-.Ltmp3, $3  }
0x86: {  	_ =	sdelay $0x1  }
0x87: {  	_ =	swait.ge [sflag:s11], $0x80  }
0x88: {  	[sflag:s11] =	ssyncset.done $0x0  }
0x89: {  	[sflag:s11] =	ssyncadd.s32 $0xFFFFFF80  }
0x8a: {  	_ =	swait.ge [sflag:s9], $0x4100  }
0x8b: {  	[sflag:s9] =	ssyncset.done $0x0  }
0x8c: {  	s14 =	simm.s32 $0x0;
	[sflag:s9] =	ssyncadd.s32 $0xFFFFBF00  }
.LBB2_10:
0x8d: {  	p2 =	sne.s32 s14, $0x10200  }
.Ltmp4:
0x8e: {  	_ = 	snop;
	(pc) =	sbr.rel @p2 .LBB2_10-.Ltmp4, $3  }
0x8f: {  	_ =	sdelay $0x1  }
0x90: {  	s15 =	sshra.s32 s14, $0x2;
	s14 =	sadd.s32 $0x200, s14  }
0x91: {  	[spmem:s2] =	stream.indirect.scatter.add.f32 [tilespmem:s10], [sflag:$0x4], $0x1, s15, s31, $0xb8;
	[tilespmem:$0x1BE00] =	vst v63  }
0x92: {  	_ =	swait.ge [sflag:s11], $0x80  }
0x93: {  	s14 =	simm.s32 $0x81;
	[sflag:s11] =	ssyncset.done $0x0  }
.LBB2_12:
0x94: {  	p2 =	sne.s32 s14, $0x1;
	s14 =	sadd.s32 $0xFFFFFFFF, s14;
	[sflag:s11] =	ssyncadd.s32 $0xFFFFFF80  }
.Ltmp5:
0x95: {  	(pc) =	sbr.rel @p2 .LBB2_12-.Ltmp5, $3  }
0x96: {  	_ =	sdelay $0x1  }
0x97: {  	_ =	swait.ge [sflag:s11], $0x80  }
0x98: {  	[sflag:s11] =	ssyncset.done $0x0  }
0x99: {  	[sflag:s11] =	ssyncadd.s32 $0xFFFFFF80;
	s14 =	simm.s32 @p0 $0x0;
	s15 =	simm.s32 @p0 $0xC780  }
0x9a: {  	[tilespmem:s15], [sflag:$0x5] =	stream.linear.gather @p0 [hbm4b:s29+s14], $0x80, $0x38;
	[tilespmem:$0x1BE00] =	vst v63  }
0x9b: {  	s14 =	simm.s32 @p0 $0x5  }
0x9c: {  	_ =	swait.ge @p0 [sflag:s14], $0x80  }
0x9d: {  	[sflag:s14] =	ssyncset.done @p0 $0x0  }
0x9e: {  	s16 =	simm.s32 @p0 $0x80;
	s25 =	simm.s32 @p0 $0x8800;
	[sflag:s14] =	ssyncadd.s32 @p0 $0xFFFFFF80  }
0x9f: {  	[spmem:s2] =	stream.indirect.scatter.add.f32 @p0 [tilespmem:s25], [sflag:$0x5], $0x1, s15, s16, $0xb8;
	[tilespmem:$0x1BE00] =	vst v63  }
0xa0: {  	_ =	swait.ge @p0 [sflag:s14], $0x80  }
0xa1: {  	[sflag:s14] =	ssyncset.done @p0 $0x0  }
0xa2: {  	[sflag:s14] =	ssyncadd.s32 @p0 $0xFFFFFF80  }
0xa3: {  	[bflag:$0x0] =	sbarrier.arrive @p0 $0xFFFF  }
0xa4: {  	s15 =	simm.s32 @!p1 $0xC780;
	s14 =	simm.s32 @!p1 $0x0;
	s16 =	rddreg [dreg:$0x8]  }
0xa5: {  	[tilespmem:s15], [sflag:$0x5] =	stream.linear.gather @!p1 [hbm4b:s16+s14], $0x80, $0x38;
	[tilespmem:$0x1BE00] =	vst v63  }
0xa6: {  	s14 =	simm.s32 @!p1 $0x5  }
0xa7: {  	_ =	swait.ge @!p1 [sflag:s14], $0x80  }
0xa8: {  	[sflag:s14] =	ssyncset.done @!p1 $0x0  }
0xa9: {  	s25 =	simm.s32 @!p1 $0x8880;
	s16 =	simm.s32 @!p1 $0x80;
	[sflag:s14] =	ssyncadd.s32 @!p1 $0xFFFFFF80  }
0xaa: {  	[spmem:s2] =	stream.indirect.scatter @!p1 [tilespmem:s25], [sflag:$0x5], $0x1, s15, s16, $0xb8;
	[tilespmem:$0x1BE00] =	vst v63  }
0xab: {  	_ =	swait.ge @!p1 [sflag:s14], $0x80  }
0xac: {  	[sflag:s14] =	ssyncset.done @!p1 $0x0  }
0xad: {  	[sflag:s14] =	ssyncadd.s32 @!p1 $0xFFFFFF80  }
0xae: {  	[bflag:$0x0] =	sbarrier.arrive @!p0 $0xFFFF  }
0xaf: {  	[bflag:$0x0] =	sbarrier.arrive $0xFFFF  }
0xb0: {  	[tilespmem:s0], [sflag:$0x5] =	stream.linear.gather [spmem:s17], $0x1EC0, $0x38;
	[tilespmem:$0x1BE00] =	vst v63  }
0xb1: {  	_ =	swait.ge [sflag:s1], $0x1EC0  }
0xb2: {  	[sflag:s1] =	ssyncset.done $0x0  }
0xb3: {  	s16 =	rddreg [dreg:$0x9];
	[sflag:s1] =	ssyncadd.s32 $0xFFFFE140  }
0xb4: {  	[hbm4b:s16+s3] =	stream.linear.scatter [tilespmem:s0], [sflag:$0x3], $0x1EC0, $0x38;
	[tilespmem:$0x1BE00] =	vst v63  }
0xb5: {  	_ = 	snop  }
0xb6: {  	[tilespmem:s12], [sflag:$0x5] =	stream.linear.gather [spmem:s18], $0x1EC0, $0x38;
	[tilespmem:$0x1BE00] =	vst v63  }
0xb7: {  	_ =	swait.ge [sflag:s1], $0x1EC0  }
0xb8: {  	[sflag:s1] =	ssyncset.done $0x0  }
0xb9: {  	s25 =	rddreg [dreg:$0xa];
	[sflag:s1] =	ssyncadd.s32 $0xFFFFE140  }
0xba: {  	[hbm4b:s25+s3] =	stream.linear.scatter [tilespmem:s12], [sflag:$0x3], $0x1EC0, $0x38;
	[tilespmem:$0x1BE00] =	vst v63  }
0xbb: {  	_ =	swait.ge [sflag:s4], $0x1EC0  }
0xbc: {  	[sflag:s4] =	ssyncset.done $0x0  }
0xbd: {  	[sflag:s4] =	ssyncadd.s32 $0xFFFFE140  }
0xbe: {  	[tilespmem:s0], [sflag:$0x5] =	stream.linear.gather [spmem:s19], $0x1EC0, $0x38;
	[tilespmem:$0x1BE00] =	vst v63  }
0xbf: {  	_ =	swait.ge [sflag:s1], $0x1EC0  }
0xc0: {  	[sflag:s1] =	ssyncset.done $0x0  }
0xc1: {  	s15 =	rddreg [dreg:$0xb];
	[sflag:s1] =	ssyncadd.s32 $0xFFFFE140  }
0xc2: {  	[hbm4b:s15+s3] =	stream.linear.scatter [tilespmem:s0], [sflag:$0x3], $0x1EC0, $0x38;
	[tilespmem:$0x1BE00] =	vst v63  }
0xc3: {  	_ =	swait.ge [sflag:s4], $0x1EC0  }
0xc4: {  	[sflag:s4] =	ssyncset.done $0x0  }
0xc5: {  	[sflag:s4] =	ssyncadd.s32 $0xFFFFE140  }
0xc6: {  	[tilespmem:s12], [sflag:$0x5] =	stream.linear.gather [spmem:s20], $0x1EC0, $0x38;
	[tilespmem:$0x1BE00] =	vst v63  }
0xc7: {  	_ =	swait.ge [sflag:s1], $0x1EC0  }
0xc8: {  	[sflag:s1] =	ssyncset.done $0x0  }
0xc9: {  	s16 =	rddreg [dreg:$0xc];
	[sflag:s1] =	ssyncadd.s32 $0xFFFFE140  }
0xca: {  	[hbm4b:s16+s3] =	stream.linear.scatter [tilespmem:s12], [sflag:$0x3], $0x1EC0, $0x38;
	[tilespmem:$0x1BE00] =	vst v63  }
0xcb: {  	_ =	swait.ge [sflag:s4], $0x1EC0  }
0xcc: {  	[sflag:s4] =	ssyncset.done $0x0  }
0xcd: {  	[sflag:s4] =	ssyncadd.s32 $0xFFFFE140  }
0xce: {  	[tilespmem:s0], [sflag:$0x5] =	stream.linear.gather [spmem:s21], $0x1EC0, $0x38;
	[tilespmem:$0x1BE00] =	vst v63  }
0xcf: {  	_ =	swait.ge [sflag:s1], $0x1EC0  }
0xd0: {  	[sflag:s1] =	ssyncset.done $0x0  }
0xd1: {  	s25 =	rddreg [dreg:$0xd];
	[sflag:s1] =	ssyncadd.s32 $0xFFFFE140  }
0xd2: {  	[hbm4b:s25+s3] =	stream.linear.scatter [tilespmem:s0], [sflag:$0x3], $0x1EC0, $0x38;
	[tilespmem:$0x1BE00] =	vst v63  }
0xd3: {  	_ =	swait.ge [sflag:s4], $0x1EC0  }
0xd4: {  	[sflag:s4] =	ssyncset.done $0x0  }
0xd5: {  	[sflag:s4] =	ssyncadd.s32 $0xFFFFE140  }
0xd6: {  	[tilespmem:s12], [sflag:$0x5] =	stream.linear.gather [spmem:s22], $0x1EC0, $0x38;
	[tilespmem:$0x1BE00] =	vst v63  }
0xd7: {  	_ =	swait.ge [sflag:s1], $0x1EC0  }
0xd8: {  	[sflag:s1] =	ssyncset.done $0x0  }
0xd9: {  	s15 =	rddreg [dreg:$0xe];
	[sflag:s1] =	ssyncadd.s32 $0xFFFFE140  }
0xda: {  	[hbm4b:s15+s3] =	stream.linear.scatter [tilespmem:s12], [sflag:$0x3], $0x1EC0, $0x38;
	[tilespmem:$0x1BE00] =	vst v63  }
0xdb: {  	_ =	swait.ge [sflag:s4], $0x1EC0  }
0xdc: {  	[sflag:s4] =	ssyncset.done $0x0  }
0xdd: {  	[sflag:s4] =	ssyncadd.s32 $0xFFFFE140  }
0xde: {  	[tilespmem:s0], [sflag:$0x5] =	stream.linear.gather [spmem:s23], $0x1EC0, $0x38;
	[tilespmem:$0x1BE00] =	vst v63  }
0xdf: {  	_ =	swait.ge [sflag:s1], $0x1EC0  }
0xe0: {  	[sflag:s1] =	ssyncset.done $0x0  }
0xe1: {  	s16 =	rddreg [dreg:$0xf];
	[sflag:s1] =	ssyncadd.s32 $0xFFFFE140  }
0xe2: {  	[hbm4b:s16+s3] =	stream.linear.scatter [tilespmem:s0], [sflag:$0x3], $0x1EC0, $0x38;
	[tilespmem:$0x1BE00] =	vst v63  }
0xe3: {  	_ =	swait.ge [sflag:s4], $0x1EC0  }
0xe4: {  	[sflag:s4] =	ssyncset.done $0x0  }
0xe5: {  	[sflag:s4] =	ssyncadd.s32 $0xFFFFE140  }
0xe6: {  	[tilespmem:s12], [sflag:$0x5] =	stream.linear.gather [spmem:s24], $0x1EC0, $0x38;
	[tilespmem:$0x1BE00] =	vst v63  }
0xe7: {  	_ =	swait.ge [sflag:s1], $0x1EC0  }
0xe8: {  	[sflag:s1] =	ssyncset.done $0x0  }
0xe9: {  	s13 =	sadd.s32 $0x1, s13;
	s25 =	rddreg [dreg:$0x10];
	[sflag:s1] =	ssyncadd.s32 $0xFFFFE140  }
0xea: {  	[hbm4b:s25+s3] =	stream.linear.scatter [tilespmem:s12], [sflag:$0x3], $0x1EC0, $0x38;
	[tilespmem:$0x1BE00] =	vst v63  }
0xeb: {  	p2 =	sne.s32 s13, s30;
	_ =	swait.ge [sflag:s4], $0x1EC0  }
.Ltmp6:
0xec: {  	[sflag:s4] =	ssyncset.done $0x0;
	(pc) =	sbr.rel @p2 .LBB2_1-.Ltmp6, $4  }
0xed: {  	[sflag:s4] =	ssyncadd.s32 $0xFFFFE140  }
0xee: {  	_ =	swait.ge [sflag:s4], $0x1EC0  }
0xef: {  	[sflag:s4] =	ssyncset.done $0x0  }
0xf0: {  	[sflag:s4] =	ssyncadd.s32 $0xFFFFE140  }
0xf1: {  	_ =	sfence.sel $0x180000  }
0xf2: {  	[bflag:$0x0] =	sbarrier.arrive $0xFFFF  }
0xf3: {  	_ =	strace $0x90000047  }
0xf4: {  	s0 =	stileid.u32;
	[bflag:$0x2] =	sbarrier.arrive $0xFFFF  }
0xf5: {  	p0 =	sne.s32 s0, $0x0;
	s0 =	rddreg [dreg:$0x5]  }
0xf6: {  	s0 =	sadd.s32 @!p0 $0x100000, s0  }
0xf7: {  	[sflag:s0] =	ssyncadd.tile.s32 @!p0 $0x1;
	_ =	shalt  }
.Lfunc_end2:
_tile_overlayer_lowered:
.L_overlay_start_2:
0xf8: {  	(tag) =	ssettag $0x2  }
0xf9: {  	s0 =	rddreg [dreg:$0x0];
	s2 =	stileid.u32  }
0xfa: {  	s1 =	rddreg [dreg:$0x1];
	p0 =	sne.s32 s2, $0x0  }
0xfb: {  	s3 =	rddreg [dreg:$0x2];
	[bflag:$0x3] =	sbarrier.arrive $0xFFFF;
	s2 =	simm.s32 @!p0 $0x1C05  }
0xfc: {  	[timem:s3], [sflag:s2] =	dma.local @!p0 [hbm:s0], s1  }
0xfd: {  	s0 =	simm.s32 @!p0 $0x5  }
0xfe: {  	_ =	swait.ge @!p0 [sflag:s0], s1  }
0xff: {  	s1 =	ssub.s32 @!p0 $0x0, s1;
	[sflag:s0] =	ssyncset.done @!p0 $0x0  }
0x100: {  	[sflag:s0] =	ssyncadd.s32 @!p0 s1  }
0x101: {  	[bflag:$0x3] =	sbarrier.arrive $0xFFFF  }
0x102: {  	_ =	shalt  }

</sc_bundles>
